<compile_context>
chip_gen: v7x
topology: tpu7x:2x2x1
jax: 0.10.2.dev20260603
libtpu: 0.0.44.dev20260713+nightly
codegen_flags: <defaults>
</compile_context>

<pallas_src>
import jax
import jax.numpy as jnp
from jax import lax
from jax.experimental import pallas as pl
from jax.experimental.pallas import tpu as pltpu
from jax.experimental.pallas import tpu_sc as plsc

N = 10000
E = 320000
D = 128
BN_EPS = 1e-5

NC = 2
NS = 16
NW = NC * NS

CHUNK = 125
EPW = E // (NW * CHUNK)
N_SUB = 624
N_REM = N - NS * N_SUB
N_ACC = N


NBANK = 8
NBANKS = EPW // NBANK


def _sc_agg_body(x_hbm, row_hbm, col_hbm, z_hbm, out_hbm,
                 ridx, cidx, buf0, buf1, agg_sh,
                 sem_r, sem_c, sem0, sem1):
    c = lax.axis_index("c")
    s = lax.axis_index("s")
    w = c * NS + s

    cp_r = pltpu.make_async_copy(row_hbm.at[w], ridx, sem_r)
    cp_r.start()
    pltpu.sync_copy(col_hbm.at[w, pl.ds(0, NBANK)], cidx.at[pl.ds(0, NBANK)])
    pltpu.make_async_copy(col_hbm.at[w, pl.ds(NBANK, NBANK)],
                          cidx.at[pl.ds(NBANK, NBANK)], sem_c).start()

    pltpu.sync_copy(z_hbm, agg_sh.at[pl.ds(s * N_SUB, N_SUB)])

    @pl.when(s == 0)
    def _():
        pltpu.sync_copy(z_hbm.at[pl.ds(0, N_REM)],
                        agg_sh.at[pl.ds(NS * N_SUB, N_REM)])

    cp_r.wait()
    plsc.subcore_barrier()

    def gather_start(j, buf, sem):
        pltpu.make_async_copy(x_hbm.at[ridx.at[j]], buf, sem).start()

    def gather_wait(j, buf, sem):
        pltpu.make_async_copy(x_hbm.at[ridx.at[j]], buf, sem).wait()

    bufs = (buf0, buf1)
    sems = (sem0, sem1)
    gather_start(0, buf0, sem0)
    gather_start(1, buf1, sem1)

    @pl.loop(0, NBANKS)
    def _(b):
        pb = lax.rem(b, 2)

        @pl.when(b > 0)
        def _():
            pltpu.make_async_copy(col_hbm.at[w, pl.ds(b * NBANK, NBANK)],
                                  cidx.at[pl.ds(pb * NBANK, NBANK)],
                                  sem_c).wait()

        @pl.when(b < NBANKS - 1)
        def _():
            pltpu.make_async_copy(
                col_hbm.at[w, pl.ds((b + 1) * NBANK, NBANK)],
                cidx.at[pl.ds((1 - pb) * NBANK, NBANK)], sem_c).start()

        for k in range(NBANK):
            j = b * NBANK + k
            p = k & 1
            gather_wait(j, bufs[p], sems[p])
            pltpu.sync_copy(bufs[p], agg_sh.at[cidx.at[pb * NBANK + k]],
                            add=True)

            @pl.when(j + 2 < EPW)
            def _():
                gather_start(j + 2, bufs[p], sems[p])

    plsc.subcore_barrier()
    pltpu.sync_copy(agg_sh.at[pl.ds(s * N_SUB, N_SUB)],
                    out_hbm.at[c, pl.ds(s * N_SUB, N_SUB)])

    @pl.when(s == 0)
    def _():
        pltpu.sync_copy(agg_sh.at[pl.ds(NS * N_SUB, N_REM)],
                        out_hbm.at[c, pl.ds(NS * N_SUB, N_REM)])


def _sc_aggregate(x, row3, col3, zeros_block):
    mesh = plsc.VectorSubcoreMesh(core_axis_name="c", subcore_axis_name="s",
                                  num_cores=NC, num_subcores=NS)
    kern = pl.kernel(
        _sc_agg_body,
        out_type=jax.ShapeDtypeStruct((NC, N, D), jnp.float32),
        mesh=mesh,
        scratch_types=[
            pltpu.VMEM((EPW, CHUNK), jnp.int32),
            pltpu.VMEM((2 * NBANK, CHUNK), jnp.int32),
            pltpu.VMEM((CHUNK, D), jnp.float32),
            pltpu.VMEM((CHUNK, D), jnp.float32),
            pltpu.VMEM_SHARED((N_ACC, D), jnp.float32),
            pltpu.SemaphoreType.DMA,
            pltpu.SemaphoreType.DMA,
            pltpu.SemaphoreType.DMA,
            pltpu.SemaphoreType.DMA,
        ],
    )
    return kern(x, row3, col3, zeros_block)


def _mlp_body(eps_ref, x_ref, a_ref, w1_ref, b1_ref, g1_ref,
              be1_ref, w2_ref, b2_ref, g2_ref, be2_ref, o_ref):
    h = x_ref[...] * (1.0 + eps_ref[0]) + a_ref[0] + a_ref[1]
    h = jnp.dot(h, w1_ref[...], preferred_element_type=jnp.float32)
    h = h + b1_ref[...]
    m = jnp.mean(h, axis=0, keepdims=True)
    hc = h - m
    v = jnp.mean(hc * hc, axis=0, keepdims=True)
    h = hc * lax.rsqrt(v + BN_EPS) * g1_ref[...] + be1_ref[...]
    h = jnp.maximum(h, 0.0)
    h = jnp.dot(h, w2_ref[...], preferred_element_type=jnp.float32)
    h = h + b2_ref[...]
    m2 = jnp.mean(h, axis=0, keepdims=True)
    hc2 = h - m2
    v2 = jnp.mean(hc2 * hc2, axis=0, keepdims=True)
    o_ref[...] = hc2 * lax.rsqrt(v2 + BN_EPS) * g2_ref[...] + be2_ref[...]


def _mlp(eps, x, parts, W1, b1, g1, be1, W2, b2, g2, be2):
    smem_spec = pl.BlockSpec(memory_space=pltpu.SMEM)
    vmem_spec = pl.BlockSpec(memory_space=pltpu.VMEM)
    return pl.pallas_call(
        _mlp_body,
        out_shape=jax.ShapeDtypeStruct((N, D), jnp.float32),
        in_specs=[smem_spec] + [vmem_spec] * 10,
        out_specs=vmem_spec,
    )(eps, x, parts, W1, b1, g1, be1, W2, b2, g2, be2)


@jax.jit
def kernel(x, edge_index, W1, b1, g1, be1, W2, b2, g2, be2, eps):
    row3 = edge_index[0].reshape(NW, EPW, CHUNK)
    col3 = edge_index[1].reshape(NW, EPW, CHUNK)
    zeros_block = jnp.zeros((N_SUB, D), jnp.float32)
    parts = _sc_aggregate(x, row3, col3, zeros_block)
    return _mlp(eps, x, parts,
                W1, b1.reshape(1, D), g1.reshape(1, D), be1.reshape(1, D),
                W2, b2.reshape(1, D), g2.reshape(1, D), be2.reshape(1, D))

# --- scband reference (transcript-rebuilt; emitter-appended) ---
"""Pipeline reference for scband-ginconv-1554778161243 (READ-ONLY COPY).

The authoritative reference and input builder live on the scoring server;
editing this copy changes nothing except your own understanding.
"""

import jax, jax.numpy as jnp
import numpy as np

N = 10000
E = 320000
D = 128
BN_EPS = 1e-5


def setup_inputs(seed: int = 0) -> dict:
    key = jax.random.key(seed)
    ks = jax.random.split(key, 10)
    x = jax.random.normal(ks[0], (N, D), dtype=jnp.float32)
    edge_index = jax.random.randint(ks[1], (2, E), 0, N, dtype=jnp.int32)
    # MLP params: Linear(D,D) -> BN(D) -> ReLU -> Linear(D,D) -> BN(D)
    bound1 = 1.0 / np.sqrt(D)
    W1 = jax.random.uniform(ks[2], (D, D), dtype=jnp.float32, minval=-bound1, maxval=bound1)
    b1 = jax.random.uniform(ks[3], (D,), dtype=jnp.float32, minval=-bound1, maxval=bound1)
    g1 = jnp.ones((D,), dtype=jnp.float32)
    be1 = jnp.zeros((D,), dtype=jnp.float32)
    W2 = jax.random.uniform(ks[4], (D, D), dtype=jnp.float32, minval=-bound1, maxval=bound1)
    b2 = jax.random.uniform(ks[5], (D,), dtype=jnp.float32, minval=-bound1, maxval=bound1)
    g2 = jnp.ones((D,), dtype=jnp.float32)
    be2 = jnp.zeros((D,), dtype=jnp.float32)
    eps = jnp.zeros((1,), dtype=jnp.float32)
    return {"x": x, "edge_index": edge_index, "W1": W1, "b1": b1, "g1": g1, "be1": be1,
            "W2": W2, "b2": b2, "g2": g2, "be2": be2, "eps": eps}


def _batchnorm(h, gamma, beta):
    m = jnp.mean(h, axis=0)
    v = jnp.var(h, axis=0)  # biased variance, matches torch BN training normalization
    return (h - m) / jnp.sqrt(v + BN_EPS) * gamma + beta


def reference(x, edge_index, W1, b1, g1, be1, W2, b2, g2, be2, eps):
    row = edge_index[0]
    col = edge_index[1]
    # scatter-add aggregation: agg[col] += x[row]
    agg = jnp.zeros_like(x).at[col].add(x[row])
    h = (1.0 + eps) * x + agg
    # MLP
    h = h @ W1 + b1
    h = _batchnorm(h, g1, be1)
    h = jax.nn.relu(h)
    h = h @ W2 + b2
    h = _batchnorm(h, g2, be2)
    return h

if __name__ == "__main__":
    import jax
    _d = setup_inputs()
    print(jax.jit(kernel)(*tuple(_d.values())))

</pallas_src>

<mosaic_0001>
#map = affine_map<(d0, d1) -> (0, 0)>
#map1 = affine_map<(d0, d1) -> (0, 0, 0)>
module attributes {stable_mosaic.version = 14 : i64} {
  func.func @_sc_agg_body(%arg0: i32, %arg1: i32, %arg2: memref<10000x128xf32, #tpu.memory_space<hbm>>, %arg3: memref<32x80x125xi32, #tpu.memory_space<hbm>>, %arg4: memref<32x80x125xi32, #tpu.memory_space<hbm>>, %arg5: memref<624x128xf32, #tpu.memory_space<hbm>>, %arg6: memref<2x10000x128xf32, #tpu.memory_space<hbm>>, %arg7: memref<80x125xi32, #tpu.memory_space<vmem>>, %arg8: memref<16x125xi32, #tpu.memory_space<vmem>>, %arg9: memref<125x128xf32, #tpu.memory_space<vmem>>, %arg10: memref<125x128xf32, #tpu.memory_space<vmem>>, %arg11: memref<10000x128xf32, #tpu.memory_space<vmem_shared>>, %arg12: memref<!tpu.dma_semaphore, #tpu.memory_space<semaphore_mem>>, %arg13: memref<!tpu.dma_semaphore, #tpu.memory_space<semaphore_mem>>, %arg14: memref<!tpu.dma_semaphore, #tpu.memory_space<semaphore_mem>>, %arg15: memref<!tpu.dma_semaphore, #tpu.memory_space<semaphore_mem>>) attributes {dimension_semantics = [#tpu.dimension_semantics<core_parallel>, #tpu.dimension_semantics<subcore_parallel>], iteration_bounds = array<i64: 2, 16>, scalar_prefetch = 0 : i64, scratch_operands = 9 : i64, tpu.core_type = #tpu.core_type<sc_vector_subcore>, window_params = [{transform_indices = #map}, {transform_indices = #map1}, {transform_indices = #map1}, {transform_indices = #map}, {transform_indices = #map1}]} {
    %mul3A = arith.constant 16 : i32
    %mul3A_0 = arith.muli %arg0, %mul3A : i32
    %add3A = arith.addi %mul3A_0, %arg1 : i32
    %dma_start3A = arith.constant 0 : i32
    %dma_start3A_1 = arith.constant 0 : i32
    %dma_start3A_2 = tpu.memref_slice %arg3[%add3A, %dma_start3A, %dma_start3A_1] : memref<32x80x125xi32, #tpu.memory_space<hbm>> -> memref<1x80x125xi32, #tpu.memory_space<hbm>>
    %dma_start3A_3 = tpu.memref_squeeze %dma_start3A_2 : memref<1x80x125xi32, #tpu.memory_space<hbm>> -> memref<80x125xi32, #tpu.memory_space<hbm>>
    %dma_start3A_4 = arith.constant 0 : i32
    %dma_start3A_5 = arith.constant 0 : i32
    %dma_start3A_6 = tpu.memref_slice %arg3[%add3A, %dma_start3A_4, %dma_start3A_5] : memref<32x80x125xi32, #tpu.memory_space<hbm>> -> memref<1x80x125xi32, #tpu.memory_space<hbm>>
    %dma_start3A_7 = tpu.memref_squeeze %dma_start3A_6 : memref<1x80x125xi32, #tpu.memory_space<hbm>> -> memref<80x125xi32, #tpu.memory_space<hbm>>
    tpu.enqueue_dma source(%dma_start3A_7 : memref<80x125xi32, #tpu.memory_space<hbm>>) target(%arg7 : memref<80x125xi32, #tpu.memory_space<vmem>>) target_semaphore(%arg12 : memref<!tpu.dma_semaphore, #tpu.memory_space<semaphore_mem>>)
    "tpu.region"() ({
      %run_scoped3A = tpu.sem_alloc : memref<!tpu.dma_semaphore, #tpu.memory_space<semaphore_mem>>
      %dma_start3A_61 = arith.constant 0 : i32
      %dma_start3A_62 = arith.constant 0 : i32
      %dma_start3A_63 = tpu.memref_slice %arg8[%dma_start3A_61, %dma_start3A_62] : memref<16x125xi32, #tpu.memory_space<vmem>> -> memref<8x125xi32, #tpu.memory_space<vmem>>
      %dma_start3A_64 = arith.constant 0 : i32
      %dma_start3A_65 = arith.constant 0 : i32
      %dma_start3A_66 = tpu.memref_slice %arg4[%add3A, %dma_start3A_64, %dma_start3A_65] : memref<32x80x125xi32, #tpu.memory_space<hbm>> -> memref<1x8x125xi32, #tpu.memory_space<hbm>>
      %dma_start3A_67 = tpu.memref_squeeze %dma_start3A_66 : memref<1x8x125xi32, #tpu.memory_space<hbm>> -> memref<8x125xi32, #tpu.memory_space<hbm>>
      %dma_start3A_68 = arith.constant 0 : i32
      %dma_start3A_69 = arith.constant 0 : i32
      %dma_start3A_70 = tpu.memref_slice %arg8[%dma_start3A_68, %dma_start3A_69] : memref<16x125xi32, #tpu.memory_space<vmem>> -> memref<8x125xi32, #tpu.memory_space<vmem>>
      %dma_start3A_71 = arith.constant 0 : i32
      %dma_start3A_72 = arith.constant 0 : i32
      %dma_start3A_73 = tpu.memref_slice %arg4[%add3A, %dma_start3A_71, %dma_start3A_72] : memref<32x80x125xi32, #tpu.memory_space<hbm>> -> memref<1x8x125xi32, #tpu.memory_space<hbm>>
      %dma_start3A_74 = tpu.memref_squeeze %dma_start3A_73 : memref<1x8x125xi32, #tpu.memory_space<hbm>> -> memref<8x125xi32, #tpu.memory_space<hbm>>
      tpu.enqueue_dma source(%dma_start3A_74 : memref<8x125xi32, #tpu.memory_space<hbm>>) target(%dma_start3A_70 : memref<8x125xi32, #tpu.memory_space<vmem>>) target_semaphore(%run_scoped3A : memref<!tpu.dma_semaphore, #tpu.memory_space<semaphore_mem>>)
      %dma_wait3A_75 = arith.constant 0 : i32
      %dma_wait3A_76 = arith.constant 0 : i32
      %dma_wait3A_77 = tpu.memref_slice %arg8[%dma_wait3A_75, %dma_wait3A_76] : memref<16x125xi32, #tpu.memory_space<vmem>> -> memref<8x125xi32, #tpu.memory_space<vmem>>
      %dma_wait3A_78 = arith.constant 0 : i32
      %dma_wait3A_79 = arith.constant 0 : i32
      %dma_wait3A_80 = tpu.memref_slice %arg4[%add3A, %dma_wait3A_78, %dma_wait3A_79] : memref<32x80x125xi32, #tpu.memory_space<hbm>> -> memref<1x8x125xi32, #tpu.memory_space<hbm>>
      %dma_wait3A_81 = tpu.memref_squeeze %dma_wait3A_80 : memref<1x8x125xi32, #tpu.memory_space<hbm>> -> memref<8x125xi32, #tpu.memory_space<hbm>>
      %dma_wait3A_82 = arith.constant 0 : i32
      %dma_wait3A_83 = arith.constant 0 : i32
      %dma_wait3A_84 = tpu.memref_slice %arg8[%dma_wait3A_82, %dma_wait3A_83] : memref<16x125xi32, #tpu.memory_space<vmem>> -> memref<8x125xi32, #tpu.memory_space<vmem>>
      %dma_wait3A_85 = arith.constant 0 : i32
      %dma_wait3A_86 = arith.constant 0 : i32
      %dma_wait3A_87 = tpu.memref_slice %arg4[%add3A, %dma_wait3A_85, %dma_wait3A_86] : memref<32x80x125xi32, #tpu.memory_space<hbm>> -> memref<1x8x125xi32, #tpu.memory_space<hbm>>
      %dma_wait3A_88 = tpu.memref_squeeze %dma_wait3A_87 : memref<1x8x125xi32, #tpu.memory_space<hbm>> -> memref<8x125xi32, #tpu.memory_space<hbm>>
      tpu.wait_dma2 semaphore(%run_scoped3A : memref<!tpu.dma_semaphore, #tpu.memory_space<semaphore_mem>>) src(%dma_wait3A_88 : memref<8x125xi32, #tpu.memory_space<hbm>>) dst(%dma_wait3A_84 : memref<8x125xi32, #tpu.memory_space<vmem>>)
      tpu.yield
    }) : () -> ()
    %dma_start3A_8 = arith.constant 8 : i32
    %dma_start3A_9 = arith.constant 0 : i32
    %dma_start3A_10 = tpu.memref_slice %arg8[%dma_start3A_8, %dma_start3A_9] : memref<16x125xi32, #tpu.memory_space<vmem>> -> memref<8x125xi32, #tpu.memory_space<vmem>>
    %dma_start3A_11 = arith.constant 8 : i32
    %dma_start3A_12 = arith.constant 0 : i32
    %dma_start3A_13 = tpu.memref_slice %arg4[%add3A, %dma_start3A_11, %dma_start3A_12] : memref<32x80x125xi32, #tpu.memory_space<hbm>> -> memref<1x8x125xi32, #tpu.memory_space<hbm>>
    %dma_start3A_14 = tpu.memref_squeeze %dma_start3A_13 : memref<1x8x125xi32, #tpu.memory_space<hbm>> -> memref<8x125xi32, #tpu.memory_space<hbm>>
    %dma_start3A_15 = arith.constant 8 : i32
    %dma_start3A_16 = arith.constant 0 : i32
    %dma_start3A_17 = tpu.memref_slice %arg8[%dma_start3A_15, %dma_start3A_16] : memref<16x125xi32, #tpu.memory_space<vmem>> -> memref<8x125xi32, #tpu.memory_space<vmem>>
    %dma_start3A_18 = arith.constant 8 : i32
    %dma_start3A_19 = arith.constant 0 : i32
    %dma_start3A_20 = tpu.memref_slice %arg4[%add3A, %dma_start3A_18, %dma_start3A_19] : memref<32x80x125xi32, #tpu.memory_space<hbm>> -> memref<1x8x125xi32, #tpu.memory_space<hbm>>
    %dma_start3A_21 = tpu.memref_squeeze %dma_start3A_20 : memref<1x8x125xi32, #tpu.memory_space<hbm>> -> memref<8x125xi32, #tpu.memory_space<hbm>>
    tpu.enqueue_dma source(%dma_start3A_21 : memref<8x125xi32, #tpu.memory_space<hbm>>) target(%dma_start3A_17 : memref<8x125xi32, #tpu.memory_space<vmem>>) target_semaphore(%arg13 : memref<!tpu.dma_semaphore, #tpu.memory_space<semaphore_mem>>)
    %mul3A_22 = arith.constant 624 : i32
    %mul3A_23 = arith.muli %arg1, %mul3A_22 : i32
    "tpu.region"() ({
      %run_scoped3A = tpu.sem_alloc : memref<!tpu.dma_semaphore, #tpu.memory_space<semaphore_mem>>
      %dma_start3A_61 = arith.constant 0 : i32
      %dma_start3A_62 = tpu.memref_slice %arg11[%mul3A_23, %dma_start3A_61] : memref<10000x128xf32, #tpu.memory_space<vmem_shared>> -> memref<624x128xf32, #tpu.memory_space<vmem_shared>>
      tpu.enqueue_dma source(%arg5 : memref<624x128xf32, #tpu.memory_space<hbm>>) target(%dma_start3A_62 : memref<624x128xf32, #tpu.memory_space<vmem_shared>>) target_semaphore(%run_scoped3A : memref<!tpu.dma_semaphore, #tpu.memory_space<semaphore_mem>>)
      %dma_wait3A_63 = arith.constant 0 : i32
      %dma_wait3A_64 = tpu.memref_slice %arg11[%mul3A_23, %dma_wait3A_63] : memref<10000x128xf32, #tpu.memory_space<vmem_shared>> -> memref<624x128xf32, #tpu.memory_space<vmem_shared>>
      tpu.wait_dma2 semaphore(%run_scoped3A : memref<!tpu.dma_semaphore, #tpu.memory_space<semaphore_mem>>) src(%arg5 : memref<624x128xf32, #tpu.memory_space<hbm>>) dst(%dma_wait3A_64 : memref<624x128xf32, #tpu.memory_space<vmem_shared>>)
      tpu.yield
    }) : () -> ()
    %eq3A = arith.constant 0 : i32
    %eq3A_24 = arith.cmpi eq, %arg1, %eq3A : i32
    %convert_element_type3A = arith.extui %eq3A_24 : i1 to i32
    %cond3A = arith.constant 0 : i32
    %cond3A_25 = arith.cmpi ne, %convert_element_type3A, %cond3A : i32
    scf.if %cond3A_25 {
      "tpu.region"() ({
        %run_scoped3A = tpu.sem_alloc : memref<!tpu.dma_semaphore, #tpu.memory_space<semaphore_mem>>
        %dma_start3A_61 = arith.constant 9984 : i32
        %dma_start3A_62 = arith.constant 0 : i32
        %dma_start3A_63 = tpu.memref_slice %arg11[%dma_start3A_61, %dma_start3A_62] : memref<10000x128xf32, #tpu.memory_space<vmem_shared>> -> memref<16x128xf32, #tpu.memory_space<vmem_shared>>
        %dma_start3A_64 = arith.constant 0 : i32
        %dma_start3A_65 = arith.constant 0 : i32
        %dma_start3A_66 = tpu.memref_slice %arg5[%dma_start3A_64, %dma_start3A_65] : memref<624x128xf32, #tpu.memory_space<hbm>> -> memref<16x128xf32, #tpu.memory_space<hbm>>
        tpu.enqueue_dma source(%dma_start3A_66 : memref<16x128xf32, #tpu.memory_space<hbm>>) target(%dma_start3A_63 : memref<16x128xf32, #tpu.memory_space<vmem_shared>>) target_semaphore(%run_scoped3A : memref<!tpu.dma_semaphore, #tpu.memory_space<semaphore_mem>>)
        %dma_wait3A_67 = arith.constant 9984 : i32
        %dma_wait3A_68 = arith.constant 0 : i32
        %dma_wait3A_69 = tpu.memref_slice %arg11[%dma_wait3A_67, %dma_wait3A_68] : memref<10000x128xf32, #tpu.memory_space<vmem_shared>> -> memref<16x128xf32, #tpu.memory_space<vmem_shared>>
        %dma_wait3A_70 = arith.constant 0 : i32
        %dma_wait3A_71 = arith.constant 0 : i32
        %dma_wait3A_72 = tpu.memref_slice %arg5[%dma_wait3A_70, %dma_wait3A_71] : memref<624x128xf32, #tpu.memory_space<hbm>> -> memref<16x128xf32, #tpu.memory_space<hbm>>
        tpu.wait_dma2 semaphore(%run_scoped3A : memref<!tpu.dma_semaphore, #tpu.memory_space<semaphore_mem>>) src(%dma_wait3A_72 : memref<16x128xf32, #tpu.memory_space<hbm>>) dst(%dma_wait3A_69 : memref<16x128xf32, #tpu.memory_space<vmem_shared>>)
        tpu.yield
      }) : () -> ()
    } else {
    }
    %dma_wait3A = arith.constant 0 : i32
    %dma_wait3A_26 = arith.constant 0 : i32
    %dma_wait3A_27 = tpu.memref_slice %arg3[%add3A, %dma_wait3A, %dma_wait3A_26] : memref<32x80x125xi32, #tpu.memory_space<hbm>> -> memref<1x80x125xi32, #tpu.memory_space<hbm>>
    %dma_wait3A_28 = tpu.memref_squeeze %dma_wait3A_27 : memref<1x80x125xi32, #tpu.memory_space<hbm>> -> memref<80x125xi32, #tpu.memory_space<hbm>>
    %dma_wait3A_29 = arith.constant 0 : i32
    %dma_wait3A_30 = arith.constant 0 : i32
    %dma_wait3A_31 = tpu.memref_slice %arg3[%add3A, %dma_wait3A_29, %dma_wait3A_30] : memref<32x80x125xi32, #tpu.memory_space<hbm>> -> memref<1x80x125xi32, #tpu.memory_space<hbm>>
    %dma_wait3A_32 = tpu.memref_squeeze %dma_wait3A_31 : memref<1x80x125xi32, #tpu.memory_space<hbm>> -> memref<80x125xi32, #tpu.memory_space<hbm>>
    tpu.wait_dma2 semaphore(%arg12 : memref<!tpu.dma_semaphore, #tpu.memory_space<semaphore_mem>>) src(%dma_wait3A_32 : memref<80x125xi32, #tpu.memory_space<hbm>>) dst(%arg7 : memref<80x125xi32, #tpu.memory_space<vmem>>)
    %barrier3A = arith.constant 0 : index
    tpu.barrier barrier_id(%barrier3A)
    %dma_start3A_33 = arith.constant 0 : i32
    %dma_start3A_34 = arith.constant 0 : i32
    %dma_start3A_35 = tpu.memref_slice %arg7[%dma_start3A_33, %dma_start3A_34] : memref<80x125xi32, #tpu.memory_space<vmem>> -> memref<1x125xi32, #tpu.memory_space<vmem>>
    %dma_start3A_36 = tpu.memref_squeeze %dma_start3A_35 : memref<1x125xi32, #tpu.memory_space<vmem>> -> memref<125xi32, #tpu.memory_space<vmem>>
    %dma_start3A_37 = arith.constant 0 : i32
    %dma_start3A_38 = arith.constant 0 : i32
    %dma_start3A_39 = tpu.memref_slice %arg2[%dma_start3A_37, %dma_start3A_38] : memref<10000x128xf32, #tpu.memory_space<hbm>> -> memref<10000x128xf32, #tpu.memory_space<hbm>>
    tpu.enqueue_indirect_dma source(%dma_start3A_39 : memref<10000x128xf32, #tpu.memory_space<hbm>>) target(%arg9 : memref<125x128xf32, #tpu.memory_space<vmem>>) offsets(%dma_start3A_36 : memref<125xi32, #tpu.memory_space<vmem>>) semaphore(%arg14 : memref<!tpu.dma_semaphore, #tpu.memory_space<semaphore_mem>>)
    %dma_start3A_40 = arith.constant 1 : i32
    %dma_start3A_41 = arith.constant 0 : i32
    %dma_start3A_42 = tpu.memref_slice %arg7[%dma_start3A_40, %dma_start3A_41] : memref<80x125xi32, #tpu.memory_space<vmem>> -> memref<1x125xi32, #tpu.memory_space<vmem>>
    %dma_start3A_43 = tpu.memref_squeeze %dma_start3A_42 : memref<1x125xi32, #tpu.memory_space<vmem>> -> memref<125xi32, #tpu.memory_space<vmem>>
    %dma_start3A_44 = arith.constant 0 : i32
    %dma_start3A_45 = arith.constant 0 : i32
    %dma_start3A_46 = tpu.memref_slice %arg2[%dma_start3A_44, %dma_start3A_45] : memref<10000x128xf32, #tpu.memory_space<hbm>> -> memref<10000x128xf32, #tpu.memory_space<hbm>>
    tpu.enqueue_indirect_dma source(%dma_start3A_46 : memref<10000x128xf32, #tpu.memory_space<hbm>>) target(%arg10 : memref<125x128xf32, #tpu.memory_space<vmem>>) offsets(%dma_start3A_43 : memref<125xi32, #tpu.memory_space<vmem>>) semaphore(%arg15 : memref<!tpu.dma_semaphore, #tpu.memory_space<semaphore_mem>>)
    %scan3A = arith.constant 0 : i32
    %scan3A_47 = arith.constant 10 : i32
    %scan3A_48 = arith.addi %scan3A, %scan3A_47 : i32
    %scan3A_49 = arith.constant 1 : i32
    scf.for %scan3A_61 = %scan3A to %scan3A_48 step %scan3A_49  : i32 {
      %mul3A_62 = arith.constant 1 : i32
      %mul3A_63 = arith.muli %scan3A_61, %mul3A_62 : i32
      %add3A_64 = arith.constant 0 : i32
      %add3A_65 = arith.addi %add3A_64, %mul3A_63 : i32
      %rem3A = arith.constant 2 : i32
      %rem3A_66 = arith.remsi %add3A_65, %rem3A : i32
      %gt3A = arith.constant 0 : i32
      %gt3A_67 = arith.cmpi sgt, %add3A_65, %gt3A : i32
      %convert_element_type3A_68 = arith.extui %gt3A_67 : i1 to i32
      %cond3A_69 = arith.constant 0 : i32
      %cond3A_70 = arith.cmpi ne, %convert_element_type3A_68, %cond3A_69 : i32
      scf.if %cond3A_70 {
        %mul3A_243 = arith.constant 8 : i32
        %mul3A_244 = arith.muli %add3A_65, %mul3A_243 : i32
        %mul3A_245 = arith.constant 8 : i32
        %mul3A_246 = arith.muli %rem3A_66, %mul3A_245 : i32
        %dma_wait3A_247 = arith.constant 0 : i32
        %dma_wait3A_248 = tpu.memref_slice %arg8[%mul3A_246, %dma_wait3A_247] : memref<16x125xi32, #tpu.memory_space<vmem>> -> memref<8x125xi32, #tpu.memory_space<vmem>>
        %dma_wait3A_249 = arith.constant 0 : i32
        %dma_wait3A_250 = tpu.memref_slice %arg4[%add3A, %mul3A_244, %dma_wait3A_249] : memref<32x80x125xi32, #tpu.memory_space<hbm>> -> memref<1x8x125xi32, #tpu.memory_space<hbm>>
        %dma_wait3A_251 = tpu.memref_squeeze %dma_wait3A_250 : memref<1x8x125xi32, #tpu.memory_space<hbm>> -> memref<8x125xi32, #tpu.memory_space<hbm>>
        %dma_wait3A_252 = arith.constant 0 : i32
        %dma_wait3A_253 = tpu.memref_slice %arg8[%mul3A_246, %dma_wait3A_252] : memref<16x125xi32, #tpu.memory_space<vmem>> -> memref<8x125xi32, #tpu.memory_space<vmem>>
        %dma_wait3A_254 = arith.constant 0 : i32
        %dma_wait3A_255 = tpu.memref_slice %arg4[%add3A, %mul3A_244, %dma_wait3A_254] : memref<32x80x125xi32, #tpu.memory_space<hbm>> -> memref<1x8x125xi32, #tpu.memory_space<hbm>>
        %dma_wait3A_256 = tpu.memref_squeeze %dma_wait3A_255 : memref<1x8x125xi32, #tpu.memory_space<hbm>> -> memref<8x125xi32, #tpu.memory_space<hbm>>
        tpu.wait_dma2 semaphore(%arg13 : memref<!tpu.dma_semaphore, #tpu.memory_space<semaphore_mem>>) src(%dma_wait3A_256 : memref<8x125xi32, #tpu.memory_space<hbm>>) dst(%dma_wait3A_253 : memref<8x125xi32, #tpu.memory_space<vmem>>)
      } else {
      }
      %lt3A = arith.constant 9 : i32
      %lt3A_71 = arith.cmpi slt, %add3A_65, %lt3A : i32
      %convert_element_type3A_72 = arith.extui %lt3A_71 : i1 to i32
      %cond3A_73 = arith.constant 0 : i32
      %cond3A_74 = arith.cmpi ne, %convert_element_type3A_72, %cond3A_73 : i32
      scf.if %cond3A_74 {
        %add3A_243 = arith.constant 1 : i32
        %add3A_244 = arith.addi %add3A_65, %add3A_243 : i32
        %mul3A_245 = arith.constant 8 : i32
        %mul3A_246 = arith.muli %add3A_244, %mul3A_245 : i32
        %sub3A = arith.constant 1 : i32
        %sub3A_247 = arith.subi %sub3A, %rem3A_66 : i32
        %mul3A_248 = arith.constant 8 : i32
        %mul3A_249 = arith.muli %sub3A_247, %mul3A_248 : i32
        %dma_start3A_250 = arith.constant 0 : i32
        %dma_start3A_251 = tpu.memref_slice %arg8[%mul3A_249, %dma_start3A_250] : memref<16x125xi32, #tpu.memory_space<vmem>> -> memref<8x125xi32, #tpu.memory_space<vmem>>
        %dma_start3A_252 = arith.constant 0 : i32
        %dma_start3A_253 = tpu.memref_slice %arg4[%add3A, %mul3A_246, %dma_start3A_252] : memref<32x80x125xi32, #tpu.memory_space<hbm>> -> memref<1x8x125xi32, #tpu.memory_space<hbm>>
        %dma_start3A_254 = tpu.memref_squeeze %dma_start3A_253 : memref<1x8x125xi32, #tpu.memory_space<hbm>> -> memref<8x125xi32, #tpu.memory_space<hbm>>
        %dma_start3A_255 = arith.constant 0 : i32
        %dma_start3A_256 = tpu.memref_slice %arg8[%mul3A_249, %dma_start3A_255] : memref<16x125xi32, #tpu.memory_space<vmem>> -> memref<8x125xi32, #tpu.memory_space<vmem>>
        %dma_start3A_257 = arith.constant 0 : i32
        %dma_start3A_258 = tpu.memref_slice %arg4[%add3A, %mul3A_246, %dma_start3A_257] : memref<32x80x125xi32, #tpu.memory_space<hbm>> -> memref<1x8x125xi32, #tpu.memory_space<hbm>>
        %dma_start3A_259 = tpu.memref_squeeze %dma_start3A_258 : memref<1x8x125xi32, #tpu.memory_space<hbm>> -> memref<8x125xi32, #tpu.memory_space<hbm>>
        tpu.enqueue_dma source(%dma_start3A_259 : memref<8x125xi32, #tpu.memory_space<hbm>>) target(%dma_start3A_256 : memref<8x125xi32, #tpu.memory_space<vmem>>) target_semaphore(%arg13 : memref<!tpu.dma_semaphore, #tpu.memory_space<semaphore_mem>>)
      } else {
      }
      %mul3A_75 = arith.constant 8 : i32
      %mul3A_76 = arith.muli %add3A_65, %mul3A_75 : i32
      %add3A_77 = arith.constant 0 : i32
      %add3A_78 = arith.addi %mul3A_76, %add3A_77 : i32
      %dma_wait3A_79 = arith.constant 0 : i32
      %dma_wait3A_80 = tpu.memref_slice %arg7[%add3A_78, %dma_wait3A_79] : memref<80x125xi32, #tpu.memory_space<vmem>> -> memref<1x125xi32, #tpu.memory_space<vmem>>
      %dma_wait3A_81 = tpu.memref_squeeze %dma_wait3A_80 : memref<1x125xi32, #tpu.memory_space<vmem>> -> memref<125xi32, #tpu.memory_space<vmem>>
      %dma_wait3A_82 = arith.constant 0 : i32
      %dma_wait3A_83 = arith.constant 0 : i32
      %dma_wait3A_84 = tpu.memref_slice %arg2[%dma_wait3A_82, %dma_wait3A_83] : memref<10000x128xf32, #tpu.memory_space<hbm>> -> memref<10000x128xf32, #tpu.memory_space<hbm>>
      tpu.wait_indirect_dma semaphore(%arg14 : memref<!tpu.dma_semaphore, #tpu.memory_space<semaphore_mem>>) src(%dma_wait3A_84 : memref<10000x128xf32, #tpu.memory_space<hbm>>) dst(%arg9 : memref<125x128xf32, #tpu.memory_space<vmem>>)
      %mul3A_85 = arith.constant 8 : i32
      %mul3A_86 = arith.muli %rem3A_66, %mul3A_85 : i32
      %add3A_87 = arith.constant 0 : i32
      %add3A_88 = arith.addi %mul3A_86, %add3A_87 : i32
      "tpu.region"() ({
        %run_scoped3A = tpu.sem_alloc : memref<!tpu.dma_semaphore, #tpu.memory_space<semaphore_mem>>
        %dma_start3A_243 = arith.constant 0 : i32
        %dma_start3A_244 = tpu.memref_slice %arg8[%add3A_88, %dma_start3A_243] : memref<16x125xi32, #tpu.memory_space<vmem>> -> memref<1x125xi32, #tpu.memory_space<vmem>>
        %dma_start3A_245 = tpu.memref_squeeze %dma_start3A_244 : memref<1x125xi32, #tpu.memory_space<vmem>> -> memref<125xi32, #tpu.memory_space<vmem>>
        %dma_start3A_246 = arith.constant 0 : i32
        %dma_start3A_247 = arith.constant 0 : i32
        %dma_start3A_248 = tpu.memref_slice %arg11[%dma_start3A_246, %dma_start3A_247] : memref<10000x128xf32, #tpu.memory_space<vmem_shared>> -> memref<10000x128xf32, #tpu.memory_space<vmem_shared>>
        tpu.enqueue_indirect_dma source(%arg9 : memref<125x128xf32, #tpu.memory_space<vmem>>) target(%dma_start3A_248 : memref<10000x128xf32, #tpu.memory_space<vmem_shared>>) offsets(%dma_start3A_245 : memref<125xi32, #tpu.memory_space<vmem>>) semaphore(%run_scoped3A : memref<!tpu.dma_semaphore, #tpu.memory_space<semaphore_mem>>) {add = true}
        %dma_wait3A_249 = arith.constant 0 : i32
        %dma_wait3A_250 = tpu.memref_slice %arg8[%add3A_88, %dma_wait3A_249] : memref<16x125xi32, #tpu.memory_space<vmem>> -> memref<1x125xi32, #tpu.memory_space<vmem>>
        %dma_wait3A_251 = tpu.memref_squeeze %dma_wait3A_250 : memref<1x125xi32, #tpu.memory_space<vmem>> -> memref<125xi32, #tpu.memory_space<vmem>>
        %dma_wait3A_252 = arith.constant 0 : i32
        %dma_wait3A_253 = arith.constant 0 : i32
        %dma_wait3A_254 = tpu.memref_slice %arg11[%dma_wait3A_252, %dma_wait3A_253] : memref<10000x128xf32, #tpu.memory_space<vmem_shared>> -> memref<10000x128xf32, #tpu.memory_space<vmem_shared>>
        tpu.wait_indirect_dma semaphore(%run_scoped3A : memref<!tpu.dma_semaphore, #tpu.memory_space<semaphore_mem>>) src(%arg9 : memref<125x128xf32, #tpu.memory_space<vmem>>) dst(%dma_wait3A_254 : memref<10000x128xf32, #tpu.memory_space<vmem_shared>>)
        tpu.yield
      }) : () -> ()
      %add3A_89 = arith.constant 2 : i32
      %add3A_90 = arith.addi %add3A_78, %add3A_89 : i32
      %lt3A_91 = arith.constant 80 : i32
      %lt3A_92 = arith.cmpi slt, %add3A_90, %lt3A_91 : i32
      %convert_element_type3A_93 = arith.extui %lt3A_92 : i1 to i32
      %cond3A_94 = arith.constant 0 : i32
      %cond3A_95 = arith.cmpi ne, %convert_element_type3A_93, %cond3A_94 : i32
      scf.if %cond3A_95 {
        %add3A_243 = arith.constant 2 : i32
        %add3A_244 = arith.addi %add3A_78, %add3A_243 : i32
        %dma_start3A_245 = arith.constant 0 : i32
        %dma_start3A_246 = tpu.memref_slice %arg7[%add3A_244, %dma_start3A_245] : memref<80x125xi32, #tpu.memory_space<vmem>> -> memref<1x125xi32, #tpu.memory_space<vmem>>
        %dma_start3A_247 = tpu.memref_squeeze %dma_start3A_246 : memref<1x125xi32, #tpu.memory_space<vmem>> -> memref<125xi32, #tpu.memory_space<vmem>>
        %dma_start3A_248 = arith.constant 0 : i32
        %dma_start3A_249 = arith.constant 0 : i32
        %dma_start3A_250 = tpu.memref_slice %arg2[%dma_start3A_248, %dma_start3A_249] : memref<10000x128xf32, #tpu.memory_space<hbm>> -> memref<10000x128xf32, #tpu.memory_space<hbm>>
        tpu.enqueue_indirect_dma source(%dma_start3A_250 : memref<10000x128xf32, #tpu.memory_space<hbm>>) target(%arg9 : memref<125x128xf32, #tpu.memory_space<vmem>>) offsets(%dma_start3A_247 : memref<125xi32, #tpu.memory_space<vmem>>) semaphore(%arg14 : memref<!tpu.dma_semaphore, #tpu.memory_space<semaphore_mem>>)
      } else {
      }
      %mul3A_96 = arith.constant 8 : i32
      %mul3A_97 = arith.muli %add3A_65, %mul3A_96 : i32
      %add3A_98 = arith.constant 1 : i32
      %add3A_99 = arith.addi %mul3A_97, %add3A_98 : i32
      %dma_wait3A_100 = arith.constant 0 : i32
      %dma_wait3A_101 = tpu.memref_slice %arg7[%add3A_99, %dma_wait3A_100] : memref<80x125xi32, #tpu.memory_space<vmem>> -> memref<1x125xi32, #tpu.memory_space<vmem>>
      %dma_wait3A_102 = tpu.memref_squeeze %dma_wait3A_101 : memref<1x125xi32, #tpu.memory_space<vmem>> -> memref<125xi32, #tpu.memory_space<vmem>>
      %dma_wait3A_103 = arith.constant 0 : i32
      %dma_wait3A_104 = arith.constant 0 : i32
      %dma_wait3A_105 = tpu.memref_slice %arg2[%dma_wait3A_103, %dma_wait3A_104] : memref<10000x128xf32, #tpu.memory_space<hbm>> -> memref<10000x128xf32, #tpu.memory_space<hbm>>
      tpu.wait_indirect_dma semaphore(%arg15 : memref<!tpu.dma_semaphore, #tpu.memory_space<semaphore_mem>>) src(%dma_wait3A_105 : memref<10000x128xf32, #tpu.memory_space<hbm>>) dst(%arg10 : memref<125x128xf32, #tpu.memory_space<vmem>>)
      %mul3A_106 = arith.constant 8 : i32
      %mul3A_107 = arith.muli %rem3A_66, %mul3A_106 : i32
      %add3A_108 = arith.constant 1 : i32
      %add3A_109 = arith.addi %mul3A_107, %add3A_108 : i32
      "tpu.region"() ({
        %run_scoped3A = tpu.sem_alloc : memref<!tpu.dma_semaphore, #tpu.memory_space<semaphore_mem>>
        %dma_start3A_243 = arith.constant 0 : i32
        %dma_start3A_244 = tpu.memref_slice %arg8[%add3A_109, %dma_start3A_243] : memref<16x125xi32, #tpu.memory_space<vmem>> -> memref<1x125xi32, #tpu.memory_space<vmem>>
        %dma_start3A_245 = tpu.memref_squeeze %dma_start3A_244 : memref<1x125xi32, #tpu.memory_space<vmem>> -> memref<125xi32, #tpu.memory_space<vmem>>
        %dma_start3A_246 = arith.constant 0 : i32
        %dma_start3A_247 = arith.constant 0 : i32
        %dma_start3A_248 = tpu.memref_slice %arg11[%dma_start3A_246, %dma_start3A_247] : memref<10000x128xf32, #tpu.memory_space<vmem_shared>> -> memref<10000x128xf32, #tpu.memory_space<vmem_shared>>
        tpu.enqueue_indirect_dma source(%arg10 : memref<125x128xf32, #tpu.memory_space<vmem>>) target(%dma_start3A_248 : memref<10000x128xf32, #tpu.memory_space<vmem_shared>>) offsets(%dma_start3A_245 : memref<125xi32, #tpu.memory_space<vmem>>) semaphore(%run_scoped3A : memref<!tpu.dma_semaphore, #tpu.memory_space<semaphore_mem>>) {add = true}
        %dma_wait3A_249 = arith.constant 0 : i32
        %dma_wait3A_250 = tpu.memref_slice %arg8[%add3A_109, %dma_wait3A_249] : memref<16x125xi32, #tpu.memory_space<vmem>> -> memref<1x125xi32, #tpu.memory_space<vmem>>
        %dma_wait3A_251 = tpu.memref_squeeze %dma_wait3A_250 : memref<1x125xi32, #tpu.memory_space<vmem>> -> memref<125xi32, #tpu.memory_space<vmem>>
        %dma_wait3A_252 = arith.constant 0 : i32
        %dma_wait3A_253 = arith.constant 0 : i32
        %dma_wait3A_254 = tpu.memref_slice %arg11[%dma_wait3A_252, %dma_wait3A_253] : memref<10000x128xf32, #tpu.memory_space<vmem_shared>> -> memref<10000x128xf32, #tpu.memory_space<vmem_shared>>
        tpu.wait_indirect_dma semaphore(%run_scoped3A : memref<!tpu.dma_semaphore, #tpu.memory_space<semaphore_mem>>) src(%arg10 : memref<125x128xf32, #tpu.memory_space<vmem>>) dst(%dma_wait3A_254 : memref<10000x128xf32, #tpu.memory_space<vmem_shared>>)
        tpu.yield
      }) : () -> ()
      %add3A_110 = arith.constant 2 : i32
      %add3A_111 = arith.addi %add3A_99, %add3A_110 : i32
      %lt3A_112 = arith.constant 80 : i32
      %lt3A_113 = arith.cmpi slt, %add3A_111, %lt3A_112 : i32
      %convert_element_type3A_114 = arith.extui %lt3A_113 : i1 to i32
      %cond3A_115 = arith.constant 0 : i32
      %cond3A_116 = arith.cmpi ne, %convert_element_type3A_114, %cond3A_115 : i32
      scf.if %cond3A_116 {
        %add3A_243 = arith.constant 2 : i32
        %add3A_244 = arith.addi %add3A_99, %add3A_243 : i32
        %dma_start3A_245 = arith.constant 0 : i32
        %dma_start3A_246 = tpu.memref_slice %arg7[%add3A_244, %dma_start3A_245] : memref<80x125xi32, #tpu.memory_space<vmem>> -> memref<1x125xi32, #tpu.memory_space<vmem>>
        %dma_start3A_247 = tpu.memref_squeeze %dma_start3A_246 : memref<1x125xi32, #tpu.memory_space<vmem>> -> memref<125xi32, #tpu.memory_space<vmem>>
        %dma_start3A_248 = arith.constant 0 : i32
        %dma_start3A_249 = arith.constant 0 : i32
        %dma_start3A_250 = tpu.memref_slice %arg2[%dma_start3A_248, %dma_start3A_249] : memref<10000x128xf32, #tpu.memory_space<hbm>> -> memref<10000x128xf32, #tpu.memory_space<hbm>>
        tpu.enqueue_indirect_dma source(%dma_start3A_250 : memref<10000x128xf32, #tpu.memory_space<hbm>>) target(%arg10 : memref<125x128xf32, #tpu.memory_space<vmem>>) offsets(%dma_start3A_247 : memref<125xi32, #tpu.memory_space<vmem>>) semaphore(%arg15 : memref<!tpu.dma_semaphore, #tpu.memory_space<semaphore_mem>>)
      } else {
      }
      %mul3A_117 = arith.constant 8 : i32
      %mul3A_118 = arith.muli %add3A_65, %mul3A_117 : i32
      %add3A_119 = arith.constant 2 : i32
      %add3A_120 = arith.addi %mul3A_118, %add3A_119 : i32
      %dma_wait3A_121 = arith.constant 0 : i32
      %dma_wait3A_122 = tpu.memref_slice %arg7[%add3A_120, %dma_wait3A_121] : memref<80x125xi32, #tpu.memory_space<vmem>> -> memref<1x125xi32, #tpu.memory_space<vmem>>
      %dma_wait3A_123 = tpu.memref_squeeze %dma_wait3A_122 : memref<1x125xi32, #tpu.memory_space<vmem>> -> memref<125xi32, #tpu.memory_space<vmem>>
      %dma_wait3A_124 = arith.constant 0 : i32
      %dma_wait3A_125 = arith.constant 0 : i32
      %dma_wait3A_126 = tpu.memref_slice %arg2[%dma_wait3A_124, %dma_wait3A_125] : memref<10000x128xf32, #tpu.memory_space<hbm>> -> memref<10000x128xf32, #tpu.memory_space<hbm>>
      tpu.wait_indirect_dma semaphore(%arg14 : memref<!tpu.dma_semaphore, #tpu.memory_space<semaphore_mem>>) src(%dma_wait3A_126 : memref<10000x128xf32, #tpu.memory_space<hbm>>) dst(%arg9 : memref<125x128xf32, #tpu.memory_space<vmem>>)
      %mul3A_127 = arith.constant 8 : i32
      %mul3A_128 = arith.muli %rem3A_66, %mul3A_127 : i32
      %add3A_129 = arith.constant 2 : i32
      %add3A_130 = arith.addi %mul3A_128, %add3A_129 : i32
      "tpu.region"() ({
        %run_scoped3A = tpu.sem_alloc : memref<!tpu.dma_semaphore, #tpu.memory_space<semaphore_mem>>
        %dma_start3A_243 = arith.constant 0 : i32
        %dma_start3A_244 = tpu.memref_slice %arg8[%add3A_130, %dma_start3A_243] : memref<16x125xi32, #tpu.memory_space<vmem>> -> memref<1x125xi32, #tpu.memory_space<vmem>>
        %dma_start3A_245 = tpu.memref_squeeze %dma_start3A_244 : memref<1x125xi32, #tpu.memory_space<vmem>> -> memref<125xi32, #tpu.memory_space<vmem>>
        %dma_start3A_246 = arith.constant 0 : i32
        %dma_start3A_247 = arith.constant 0 : i32
        %dma_start3A_248 = tpu.memref_slice %arg11[%dma_start3A_246, %dma_start3A_247] : memref<10000x128xf32, #tpu.memory_space<vmem_shared>> -> memref<10000x128xf32, #tpu.memory_space<vmem_shared>>
        tpu.enqueue_indirect_dma source(%arg9 : memref<125x128xf32, #tpu.memory_space<vmem>>) target(%dma_start3A_248 : memref<10000x128xf32, #tpu.memory_space<vmem_shared>>) offsets(%dma_start3A_245 : memref<125xi32, #tpu.memory_space<vmem>>) semaphore(%run_scoped3A : memref<!tpu.dma_semaphore, #tpu.memory_space<semaphore_mem>>) {add = true}
        %dma_wait3A_249 = arith.constant 0 : i32
        %dma_wait3A_250 = tpu.memref_slice %arg8[%add3A_130, %dma_wait3A_249] : memref<16x125xi32, #tpu.memory_space<vmem>> -> memref<1x125xi32, #tpu.memory_space<vmem>>
        %dma_wait3A_251 = tpu.memref_squeeze %dma_wait3A_250 : memref<1x125xi32, #tpu.memory_space<vmem>> -> memref<125xi32, #tpu.memory_space<vmem>>
        %dma_wait3A_252 = arith.constant 0 : i32
        %dma_wait3A_253 = arith.constant 0 : i32
        %dma_wait3A_254 = tpu.memref_slice %arg11[%dma_wait3A_252, %dma_wait3A_253] : memref<10000x128xf32, #tpu.memory_space<vmem_shared>> -> memref<10000x128xf32, #tpu.memory_space<vmem_shared>>
        tpu.wait_indirect_dma semaphore(%run_scoped3A : memref<!tpu.dma_semaphore, #tpu.memory_space<semaphore_mem>>) src(%arg9 : memref<125x128xf32, #tpu.memory_space<vmem>>) dst(%dma_wait3A_254 : memref<10000x128xf32, #tpu.memory_space<vmem_shared>>)
        tpu.yield
      }) : () -> ()
      %add3A_131 = arith.constant 2 : i32
      %add3A_132 = arith.addi %add3A_120, %add3A_131 : i32
      %lt3A_133 = arith.constant 80 : i32
      %lt3A_134 = arith.cmpi slt, %add3A_132, %lt3A_133 : i32
      %convert_element_type3A_135 = arith.extui %lt3A_134 : i1 to i32
      %cond3A_136 = arith.constant 0 : i32
      %cond3A_137 = arith.cmpi ne, %convert_element_type3A_135, %cond3A_136 : i32
      scf.if %cond3A_137 {
        %add3A_243 = arith.constant 2 : i32
        %add3A_244 = arith.addi %add3A_120, %add3A_243 : i32
        %dma_start3A_245 = arith.constant 0 : i32
        %dma_start3A_246 = tpu.memref_slice %arg7[%add3A_244, %dma_start3A_245] : memref<80x125xi32, #tpu.memory_space<vmem>> -> memref<1x125xi32, #tpu.memory_space<vmem>>
        %dma_start3A_247 = tpu.memref_squeeze %dma_start3A_246 : memref<1x125xi32, #tpu.memory_space<vmem>> -> memref<125xi32, #tpu.memory_space<vmem>>
        %dma_start3A_248 = arith.constant 0 : i32
        %dma_start3A_249 = arith.constant 0 : i32
        %dma_start3A_250 = tpu.memref_slice %arg2[%dma_start3A_248, %dma_start3A_249] : memref<10000x128xf32, #tpu.memory_space<hbm>> -> memref<10000x128xf32, #tpu.memory_space<hbm>>
        tpu.enqueue_indirect_dma source(%dma_start3A_250 : memref<10000x128xf32, #tpu.memory_space<hbm>>) target(%arg9 : memref<125x128xf32, #tpu.memory_space<vmem>>) offsets(%dma_start3A_247 : memref<125xi32, #tpu.memory_space<vmem>>) semaphore(%arg14 : memref<!tpu.dma_semaphore, #tpu.memory_space<semaphore_mem>>)
      } else {
      }
      %mul3A_138 = arith.constant 8 : i32
      %mul3A_139 = arith.muli %add3A_65, %mul3A_138 : i32
      %add3A_140 = arith.constant 3 : i32
      %add3A_141 = arith.addi %mul3A_139, %add3A_140 : i32
      %dma_wait3A_142 = arith.constant 0 : i32
      %dma_wait3A_143 = tpu.memref_slice %arg7[%add3A_141, %dma_wait3A_142] : memref<80x125xi32, #tpu.memory_space<vmem>> -> memref<1x125xi32, #tpu.memory_space<vmem>>
      %dma_wait3A_144 = tpu.memref_squeeze %dma_wait3A_143 : memref<1x125xi32, #tpu.memory_space<vmem>> -> memref<125xi32, #tpu.memory_space<vmem>>
      %dma_wait3A_145 = arith.constant 0 : i32
      %dma_wait3A_146 = arith.constant 0 : i32
      %dma_wait3A_147 = tpu.memref_slice %arg2[%dma_wait3A_145, %dma_wait3A_146] : memref<10000x128xf32, #tpu.memory_space<hbm>> -> memref<10000x128xf32, #tpu.memory_space<hbm>>
      tpu.wait_indirect_dma semaphore(%arg15 : memref<!tpu.dma_semaphore, #tpu.memory_space<semaphore_mem>>) src(%dma_wait3A_147 : memref<10000x128xf32, #tpu.memory_space<hbm>>) dst(%arg10 : memref<125x128xf32, #tpu.memory_space<vmem>>)
      %mul3A_148 = arith.constant 8 : i32
      %mul3A_149 = arith.muli %rem3A_66, %mul3A_148 : i32
      %add3A_150 = arith.constant 3 : i32
      %add3A_151 = arith.addi %mul3A_149, %add3A_150 : i32
      "tpu.region"() ({
        %run_scoped3A = tpu.sem_alloc : memref<!tpu.dma_semaphore, #tpu.memory_space<semaphore_mem>>
        %dma_start3A_243 = arith.constant 0 : i32
        %dma_start3A_244 = tpu.memref_slice %arg8[%add3A_151, %dma_start3A_243] : memref<16x125xi32, #tpu.memory_space<vmem>> -> memref<1x125xi32, #tpu.memory_space<vmem>>
        %dma_start3A_245 = tpu.memref_squeeze %dma_start3A_244 : memref<1x125xi32, #tpu.memory_space<vmem>> -> memref<125xi32, #tpu.memory_space<vmem>>
        %dma_start3A_246 = arith.constant 0 : i32
        %dma_start3A_247 = arith.constant 0 : i32
        %dma_start3A_248 = tpu.memref_slice %arg11[%dma_start3A_246, %dma_start3A_247] : memref<10000x128xf32, #tpu.memory_space<vmem_shared>> -> memref<10000x128xf32, #tpu.memory_space<vmem_shared>>
        tpu.enqueue_indirect_dma source(%arg10 : memref<125x128xf32, #tpu.memory_space<vmem>>) target(%dma_start3A_248 : memref<10000x128xf32, #tpu.memory_space<vmem_shared>>) offsets(%dma_start3A_245 : memref<125xi32, #tpu.memory_space<vmem>>) semaphore(%run_scoped3A : memref<!tpu.dma_semaphore, #tpu.memory_space<semaphore_mem>>) {add = true}
        %dma_wait3A_249 = arith.constant 0 : i32
        %dma_wait3A_250 = tpu.memref_slice %arg8[%add3A_151, %dma_wait3A_249] : memref<16x125xi32, #tpu.memory_space<vmem>> -> memref<1x125xi32, #tpu.memory_space<vmem>>
        %dma_wait3A_251 = tpu.memref_squeeze %dma_wait3A_250 : memref<1x125xi32, #tpu.memory_space<vmem>> -> memref<125xi32, #tpu.memory_space<vmem>>
        %dma_wait3A_252 = arith.constant 0 : i32
        %dma_wait3A_253 = arith.constant 0 : i32
        %dma_wait3A_254 = tpu.memref_slice %arg11[%dma_wait3A_252, %dma_wait3A_253] : memref<10000x128xf32, #tpu.memory_space<vmem_shared>> -> memref<10000x128xf32, #tpu.memory_space<vmem_shared>>
        tpu.wait_indirect_dma semaphore(%run_scoped3A : memref<!tpu.dma_semaphore, #tpu.memory_space<semaphore_mem>>) src(%arg10 : memref<125x128xf32, #tpu.memory_space<vmem>>) dst(%dma_wait3A_254 : memref<10000x128xf32, #tpu.memory_space<vmem_shared>>)
        tpu.yield
      }) : () -> ()
      %add3A_152 = arith.constant 2 : i32
      %add3A_153 = arith.addi %add3A_141, %add3A_152 : i32
      %lt3A_154 = arith.constant 80 : i32
      %lt3A_155 = arith.cmpi slt, %add3A_153, %lt3A_154 : i32
      %convert_element_type3A_156 = arith.extui %lt3A_155 : i1 to i32
      %cond3A_157 = arith.constant 0 : i32
      %cond3A_158 = arith.cmpi ne, %convert_element_type3A_156, %cond3A_157 : i32
      scf.if %cond3A_158 {
        %add3A_243 = arith.constant 2 : i32
        %add3A_244 = arith.addi %add3A_141, %add3A_243 : i32
        %dma_start3A_245 = arith.constant 0 : i32
        %dma_start3A_246 = tpu.memref_slice %arg7[%add3A_244, %dma_start3A_245] : memref<80x125xi32, #tpu.memory_space<vmem>> -> memref<1x125xi32, #tpu.memory_space<vmem>>
        %dma_start3A_247 = tpu.memref_squeeze %dma_start3A_246 : memref<1x125xi32, #tpu.memory_space<vmem>> -> memref<125xi32, #tpu.memory_space<vmem>>
        %dma_start3A_248 = arith.constant 0 : i32
        %dma_start3A_249 = arith.constant 0 : i32
        %dma_start3A_250 = tpu.memref_slice %arg2[%dma_start3A_248, %dma_start3A_249] : memref<10000x128xf32, #tpu.memory_space<hbm>> -> memref<10000x128xf32, #tpu.memory_space<hbm>>
        tpu.enqueue_indirect_dma source(%dma_start3A_250 : memref<10000x128xf32, #tpu.memory_space<hbm>>) target(%arg10 : memref<125x128xf32, #tpu.memory_space<vmem>>) offsets(%dma_start3A_247 : memref<125xi32, #tpu.memory_space<vmem>>) semaphore(%arg15 : memref<!tpu.dma_semaphore, #tpu.memory_space<semaphore_mem>>)
      } else {
      }
      %mul3A_159 = arith.constant 8 : i32
      %mul3A_160 = arith.muli %add3A_65, %mul3A_159 : i32
      %add3A_161 = arith.constant 4 : i32
      %add3A_162 = arith.addi %mul3A_160, %add3A_161 : i32
      %dma_wait3A_163 = arith.constant 0 : i32
      %dma_wait3A_164 = tpu.memref_slice %arg7[%add3A_162, %dma_wait3A_163] : memref<80x125xi32, #tpu.memory_space<vmem>> -> memref<1x125xi32, #tpu.memory_space<vmem>>
      %dma_wait3A_165 = tpu.memref_squeeze %dma_wait3A_164 : memref<1x125xi32, #tpu.memory_space<vmem>> -> memref<125xi32, #tpu.memory_space<vmem>>
      %dma_wait3A_166 = arith.constant 0 : i32
      %dma_wait3A_167 = arith.constant 0 : i32
      %dma_wait3A_168 = tpu.memref_slice %arg2[%dma_wait3A_166, %dma_wait3A_167] : memref<10000x128xf32, #tpu.memory_space<hbm>> -> memref<10000x128xf32, #tpu.memory_space<hbm>>
      tpu.wait_indirect_dma semaphore(%arg14 : memref<!tpu.dma_semaphore, #tpu.memory_space<semaphore_mem>>) src(%dma_wait3A_168 : memref<10000x128xf32, #tpu.memory_space<hbm>>) dst(%arg9 : memref<125x128xf32, #tpu.memory_space<vmem>>)
      %mul3A_169 = arith.constant 8 : i32
      %mul3A_170 = arith.muli %rem3A_66, %mul3A_169 : i32
      %add3A_171 = arith.constant 4 : i32
      %add3A_172 = arith.addi %mul3A_170, %add3A_171 : i32
      "tpu.region"() ({
        %run_scoped3A = tpu.sem_alloc : memref<!tpu.dma_semaphore, #tpu.memory_space<semaphore_mem>>
        %dma_start3A_243 = arith.constant 0 : i32
        %dma_start3A_244 = tpu.memref_slice %arg8[%add3A_172, %dma_start3A_243] : memref<16x125xi32, #tpu.memory_space<vmem>> -> memref<1x125xi32, #tpu.memory_space<vmem>>
        %dma_start3A_245 = tpu.memref_squeeze %dma_start3A_244 : memref<1x125xi32, #tpu.memory_space<vmem>> -> memref<125xi32, #tpu.memory_space<vmem>>
        %dma_start3A_246 = arith.constant 0 : i32
        %dma_start3A_247 = arith.constant 0 : i32
        %dma_start3A_248 = tpu.memref_slice %arg11[%dma_start3A_246, %dma_start3A_247] : memref<10000x128xf32, #tpu.memory_space<vmem_shared>> -> memref<10000x128xf32, #tpu.memory_space<vmem_shared>>
        tpu.enqueue_indirect_dma source(%arg9 : memref<125x128xf32, #tpu.memory_space<vmem>>) target(%dma_start3A_248 : memref<10000x128xf32, #tpu.memory_space<vmem_shared>>) offsets(%dma_start3A_245 : memref<125xi32, #tpu.memory_space<vmem>>) semaphore(%run_scoped3A : memref<!tpu.dma_semaphore, #tpu.memory_space<semaphore_mem>>) {add = true}
        %dma_wait3A_249 = arith.constant 0 : i32
        %dma_wait3A_250 = tpu.memref_slice %arg8[%add3A_172, %dma_wait3A_249] : memref<16x125xi32, #tpu.memory_space<vmem>> -> memref<1x125xi32, #tpu.memory_space<vmem>>
        %dma_wait3A_251 = tpu.memref_squeeze %dma_wait3A_250 : memref<1x125xi32, #tpu.memory_space<vmem>> -> memref<125xi32, #tpu.memory_space<vmem>>
        %dma_wait3A_252 = arith.constant 0 : i32
        %dma_wait3A_253 = arith.constant 0 : i32
        %dma_wait3A_254 = tpu.memref_slice %arg11[%dma_wait3A_252, %dma_wait3A_253] : memref<10000x128xf32, #tpu.memory_space<vmem_shared>> -> memref<10000x128xf32, #tpu.memory_space<vmem_shared>>
        tpu.wait_indirect_dma semaphore(%run_scoped3A : memref<!tpu.dma_semaphore, #tpu.memory_space<semaphore_mem>>) src(%arg9 : memref<125x128xf32, #tpu.memory_space<vmem>>) dst(%dma_wait3A_254 : memref<10000x128xf32, #tpu.memory_space<vmem_shared>>)
        tpu.yield
      }) : () -> ()
      %add3A_173 = arith.constant 2 : i32
      %add3A_174 = arith.addi %add3A_162, %add3A_173 : i32
      %lt3A_175 = arith.constant 80 : i32
      %lt3A_176 = arith.cmpi slt, %add3A_174, %lt3A_175 : i32
      %convert_element_type3A_177 = arith.extui %lt3A_176 : i1 to i32
      %cond3A_178 = arith.constant 0 : i32
      %cond3A_179 = arith.cmpi ne, %convert_element_type3A_177, %cond3A_178 : i32
      scf.if %cond3A_179 {
        %add3A_243 = arith.constant 2 : i32
        %add3A_244 = arith.addi %add3A_162, %add3A_243 : i32
        %dma_start3A_245 = arith.constant 0 : i32
        %dma_start3A_246 = tpu.memref_slice %arg7[%add3A_244, %dma_start3A_245] : memref<80x125xi32, #tpu.memory_space<vmem>> -> memref<1x125xi32, #tpu.memory_space<vmem>>
        %dma_start3A_247 = tpu.memref_squeeze %dma_start3A_246 : memref<1x125xi32, #tpu.memory_space<vmem>> -> memref<125xi32, #tpu.memory_space<vmem>>
        %dma_start3A_248 = arith.constant 0 : i32
        %dma_start3A_249 = arith.constant 0 : i32
        %dma_start3A_250 = tpu.memref_slice %arg2[%dma_start3A_248, %dma_start3A_249] : memref<10000x128xf32, #tpu.memory_space<hbm>> -> memref<10000x128xf32, #tpu.memory_space<hbm>>
        tpu.enqueue_indirect_dma source(%dma_start3A_250 : memref<10000x128xf32, #tpu.memory_space<hbm>>) target(%arg9 : memref<125x128xf32, #tpu.memory_space<vmem>>) offsets(%dma_start3A_247 : memref<125xi32, #tpu.memory_space<vmem>>) semaphore(%arg14 : memref<!tpu.dma_semaphore, #tpu.memory_space<semaphore_mem>>)
      } else {
      }
      %mul3A_180 = arith.constant 8 : i32
      %mul3A_181 = arith.muli %add3A_65, %mul3A_180 : i32
      %add3A_182 = arith.constant 5 : i32
      %add3A_183 = arith.addi %mul3A_181, %add3A_182 : i32
      %dma_wait3A_184 = arith.constant 0 : i32
      %dma_wait3A_185 = tpu.memref_slice %arg7[%add3A_183, %dma_wait3A_184] : memref<80x125xi32, #tpu.memory_space<vmem>> -> memref<1x125xi32, #tpu.memory_space<vmem>>
      %dma_wait3A_186 = tpu.memref_squeeze %dma_wait3A_185 : memref<1x125xi32, #tpu.memory_space<vmem>> -> memref<125xi32, #tpu.memory_space<vmem>>
      %dma_wait3A_187 = arith.constant 0 : i32
      %dma_wait3A_188 = arith.constant 0 : i32
      %dma_wait3A_189 = tpu.memref_slice %arg2[%dma_wait3A_187, %dma_wait3A_188] : memref<10000x128xf32, #tpu.memory_space<hbm>> -> memref<10000x128xf32, #tpu.memory_space<hbm>>
      tpu.wait_indirect_dma semaphore(%arg15 : memref<!tpu.dma_semaphore, #tpu.memory_space<semaphore_mem>>) src(%dma_wait3A_189 : memref<10000x128xf32, #tpu.memory_space<hbm>>) dst(%arg10 : memref<125x128xf32, #tpu.memory_space<vmem>>)
      %mul3A_190 = arith.constant 8 : i32
      %mul3A_191 = arith.muli %rem3A_66, %mul3A_190 : i32
      %add3A_192 = arith.constant 5 : i32
      %add3A_193 = arith.addi %mul3A_191, %add3A_192 : i32
      "tpu.region"() ({
        %run_scoped3A = tpu.sem_alloc : memref<!tpu.dma_semaphore, #tpu.memory_space<semaphore_mem>>
        %dma_start3A_243 = arith.constant 0 : i32
        %dma_start3A_244 = tpu.memref_slice %arg8[%add3A_193, %dma_start3A_243] : memref<16x125xi32, #tpu.memory_space<vmem>> -> memref<1x125xi32, #tpu.memory_space<vmem>>
        %dma_start3A_245 = tpu.memref_squeeze %dma_start3A_244 : memref<1x125xi32, #tpu.memory_space<vmem>> -> memref<125xi32, #tpu.memory_space<vmem>>
        %dma_start3A_246 = arith.constant 0 : i32
        %dma_start3A_247 = arith.constant 0 : i32
        %dma_start3A_248 = tpu.memref_slice %arg11[%dma_start3A_246, %dma_start3A_247] : memref<10000x128xf32, #tpu.memory_space<vmem_shared>> -> memref<10000x128xf32, #tpu.memory_space<vmem_shared>>
        tpu.enqueue_indirect_dma source(%arg10 : memref<125x128xf32, #tpu.memory_space<vmem>>) target(%dma_start3A_248 : memref<10000x128xf32, #tpu.memory_space<vmem_shared>>) offsets(%dma_start3A_245 : memref<125xi32, #tpu.memory_space<vmem>>) semaphore(%run_scoped3A : memref<!tpu.dma_semaphore, #tpu.memory_space<semaphore_mem>>) {add = true}
        %dma_wait3A_249 = arith.constant 0 : i32
        %dma_wait3A_250 = tpu.memref_slice %arg8[%add3A_193, %dma_wait3A_249] : memref<16x125xi32, #tpu.memory_space<vmem>> -> memref<1x125xi32, #tpu.memory_space<vmem>>
        %dma_wait3A_251 = tpu.memref_squeeze %dma_wait3A_250 : memref<1x125xi32, #tpu.memory_space<vmem>> -> memref<125xi32, #tpu.memory_space<vmem>>
        %dma_wait3A_252 = arith.constant 0 : i32
        %dma_wait3A_253 = arith.constant 0 : i32
        %dma_wait3A_254 = tpu.memref_slice %arg11[%dma_wait3A_252, %dma_wait3A_253] : memref<10000x128xf32, #tpu.memory_space<vmem_shared>> -> memref<10000x128xf32, #tpu.memory_space<vmem_shared>>
        tpu.wait_indirect_dma semaphore(%run_scoped3A : memref<!tpu.dma_semaphore, #tpu.memory_space<semaphore_mem>>) src(%arg10 : memref<125x128xf32, #tpu.memory_space<vmem>>) dst(%dma_wait3A_254 : memref<10000x128xf32, #tpu.memory_space<vmem_shared>>)
        tpu.yield
      }) : () -> ()
      %add3A_194 = arith.constant 2 : i32
      %add3A_195 = arith.addi %add3A_183, %add3A_194 : i32
      %lt3A_196 = arith.constant 80 : i32
      %lt3A_197 = arith.cmpi slt, %add3A_195, %lt3A_196 : i32
      %convert_element_type3A_198 = arith.extui %lt3A_197 : i1 to i32
      %cond3A_199 = arith.constant 0 : i32
      %cond3A_200 = arith.cmpi ne, %convert_element_type3A_198, %cond3A_199 : i32
      scf.if %cond3A_200 {
        %add3A_243 = arith.constant 2 : i32
        %add3A_244 = arith.addi %add3A_183, %add3A_243 : i32
        %dma_start3A_245 = arith.constant 0 : i32
        %dma_start3A_246 = tpu.memref_slice %arg7[%add3A_244, %dma_start3A_245] : memref<80x125xi32, #tpu.memory_space<vmem>> -> memref<1x125xi32, #tpu.memory_space<vmem>>
        %dma_start3A_247 = tpu.memref_squeeze %dma_start3A_246 : memref<1x125xi32, #tpu.memory_space<vmem>> -> memref<125xi32, #tpu.memory_space<vmem>>
        %dma_start3A_248 = arith.constant 0 : i32
        %dma_start3A_249 = arith.constant 0 : i32
        %dma_start3A_250 = tpu.memref_slice %arg2[%dma_start3A_248, %dma_start3A_249] : memref<10000x128xf32, #tpu.memory_space<hbm>> -> memref<10000x128xf32, #tpu.memory_space<hbm>>
        tpu.enqueue_indirect_dma source(%dma_start3A_250 : memref<10000x128xf32, #tpu.memory_space<hbm>>) target(%arg10 : memref<125x128xf32, #tpu.memory_space<vmem>>) offsets(%dma_start3A_247 : memref<125xi32, #tpu.memory_space<vmem>>) semaphore(%arg15 : memref<!tpu.dma_semaphore, #tpu.memory_space<semaphore_mem>>)
      } else {
      }
      %mul3A_201 = arith.constant 8 : i32
      %mul3A_202 = arith.muli %add3A_65, %mul3A_201 : i32
      %add3A_203 = arith.constant 6 : i32
      %add3A_204 = arith.addi %mul3A_202, %add3A_203 : i32
      %dma_wait3A_205 = arith.constant 0 : i32
      %dma_wait3A_206 = tpu.memref_slice %arg7[%add3A_204, %dma_wait3A_205] : memref<80x125xi32, #tpu.memory_space<vmem>> -> memref<1x125xi32, #tpu.memory_space<vmem>>
      %dma_wait3A_207 = tpu.memref_squeeze %dma_wait3A_206 : memref<1x125xi32, #tpu.memory_space<vmem>> -> memref<125xi32, #tpu.memory_space<vmem>>
      %dma_wait3A_208 = arith.constant 0 : i32
      %dma_wait3A_209 = arith.constant 0 : i32
      %dma_wait3A_210 = tpu.memref_slice %arg2[%dma_wait3A_208, %dma_wait3A_209] : memref<10000x128xf32, #tpu.memory_space<hbm>> -> memref<10000x128xf32, #tpu.memory_space<hbm>>
      tpu.wait_indirect_dma semaphore(%arg14 : memref<!tpu.dma_semaphore, #tpu.memory_space<semaphore_mem>>) src(%dma_wait3A_210 : memref<10000x128xf32, #tpu.memory_space<hbm>>) dst(%arg9 : memref<125x128xf32, #tpu.memory_space<vmem>>)
      %mul3A_211 = arith.constant 8 : i32
      %mul3A_212 = arith.muli %rem3A_66, %mul3A_211 : i32
      %add3A_213 = arith.constant 6 : i32
      %add3A_214 = arith.addi %mul3A_212, %add3A_213 : i32
      "tpu.region"() ({
        %run_scoped3A = tpu.sem_alloc : memref<!tpu.dma_semaphore, #tpu.memory_space<semaphore_mem>>
        %dma_start3A_243 = arith.constant 0 : i32
        %dma_start3A_244 = tpu.memref_slice %arg8[%add3A_214, %dma_start3A_243] : memref<16x125xi32, #tpu.memory_space<vmem>> -> memref<1x125xi32, #tpu.memory_space<vmem>>
        %dma_start3A_245 = tpu.memref_squeeze %dma_start3A_244 : memref<1x125xi32, #tpu.memory_space<vmem>> -> memref<125xi32, #tpu.memory_space<vmem>>
        %dma_start3A_246 = arith.constant 0 : i32
        %dma_start3A_247 = arith.constant 0 : i32
        %dma_start3A_248 = tpu.memref_slice %arg11[%dma_start3A_246, %dma_start3A_247] : memref<10000x128xf32, #tpu.memory_space<vmem_shared>> -> memref<10000x128xf32, #tpu.memory_space<vmem_shared>>
        tpu.enqueue_indirect_dma source(%arg9 : memref<125x128xf32, #tpu.memory_space<vmem>>) target(%dma_start3A_248 : memref<10000x128xf32, #tpu.memory_space<vmem_shared>>) offsets(%dma_start3A_245 : memref<125xi32, #tpu.memory_space<vmem>>) semaphore(%run_scoped3A : memref<!tpu.dma_semaphore, #tpu.memory_space<semaphore_mem>>) {add = true}
        %dma_wait3A_249 = arith.constant 0 : i32
        %dma_wait3A_250 = tpu.memref_slice %arg8[%add3A_214, %dma_wait3A_249] : memref<16x125xi32, #tpu.memory_space<vmem>> -> memref<1x125xi32, #tpu.memory_space<vmem>>
        %dma_wait3A_251 = tpu.memref_squeeze %dma_wait3A_250 : memref<1x125xi32, #tpu.memory_space<vmem>> -> memref<125xi32, #tpu.memory_space<vmem>>
        %dma_wait3A_252 = arith.constant 0 : i32
        %dma_wait3A_253 = arith.constant 0 : i32
        %dma_wait3A_254 = tpu.memref_slice %arg11[%dma_wait3A_252, %dma_wait3A_253] : memref<10000x128xf32, #tpu.memory_space<vmem_shared>> -> memref<10000x128xf32, #tpu.memory_space<vmem_shared>>
        tpu.wait_indirect_dma semaphore(%run_scoped3A : memref<!tpu.dma_semaphore, #tpu.memory_space<semaphore_mem>>) src(%arg9 : memref<125x128xf32, #tpu.memory_space<vmem>>) dst(%dma_wait3A_254 : memref<10000x128xf32, #tpu.memory_space<vmem_shared>>)
        tpu.yield
      }) : () -> ()
      %add3A_215 = arith.constant 2 : i32
      %add3A_216 = arith.addi %add3A_204, %add3A_215 : i32
      %lt3A_217 = arith.constant 80 : i32
      %lt3A_218 = arith.cmpi slt, %add3A_216, %lt3A_217 : i32
      %convert_element_type3A_219 = arith.extui %lt3A_218 : i1 to i32
      %cond3A_220 = arith.constant 0 : i32
      %cond3A_221 = arith.cmpi ne, %convert_element_type3A_219, %cond3A_220 : i32
      scf.if %cond3A_221 {
        %add3A_243 = arith.constant 2 : i32
        %add3A_244 = arith.addi %add3A_204, %add3A_243 : i32
        %dma_start3A_245 = arith.constant 0 : i32
        %dma_start3A_246 = tpu.memref_slice %arg7[%add3A_244, %dma_start3A_245] : memref<80x125xi32, #tpu.memory_space<vmem>> -> memref<1x125xi32, #tpu.memory_space<vmem>>
        %dma_start3A_247 = tpu.memref_squeeze %dma_start3A_246 : memref<1x125xi32, #tpu.memory_space<vmem>> -> memref<125xi32, #tpu.memory_space<vmem>>
        %dma_start3A_248 = arith.constant 0 : i32
        %dma_start3A_249 = arith.constant 0 : i32
        %dma_start3A_250 = tpu.memref_slice %arg2[%dma_start3A_248, %dma_start3A_249] : memref<10000x128xf32, #tpu.memory_space<hbm>> -> memref<10000x128xf32, #tpu.memory_space<hbm>>
        tpu.enqueue_indirect_dma source(%dma_start3A_250 : memref<10000x128xf32, #tpu.memory_space<hbm>>) target(%arg9 : memref<125x128xf32, #tpu.memory_space<vmem>>) offsets(%dma_start3A_247 : memref<125xi32, #tpu.memory_space<vmem>>) semaphore(%arg14 : memref<!tpu.dma_semaphore, #tpu.memory_space<semaphore_mem>>)
      } else {
      }
      %mul3A_222 = arith.constant 8 : i32
      %mul3A_223 = arith.muli %add3A_65, %mul3A_222 : i32
      %add3A_224 = arith.constant 7 : i32
      %add3A_225 = arith.addi %mul3A_223, %add3A_224 : i32
      %dma_wait3A_226 = arith.constant 0 : i32
      %dma_wait3A_227 = tpu.memref_slice %arg7[%add3A_225, %dma_wait3A_226] : memref<80x125xi32, #tpu.memory_space<vmem>> -> memref<1x125xi32, #tpu.memory_space<vmem>>
      %dma_wait3A_228 = tpu.memref_squeeze %dma_wait3A_227 : memref<1x125xi32, #tpu.memory_space<vmem>> -> memref<125xi32, #tpu.memory_space<vmem>>
      %dma_wait3A_229 = arith.constant 0 : i32
      %dma_wait3A_230 = arith.constant 0 : i32
      %dma_wait3A_231 = tpu.memref_slice %arg2[%dma_wait3A_229, %dma_wait3A_230] : memref<10000x128xf32, #tpu.memory_space<hbm>> -> memref<10000x128xf32, #tpu.memory_space<hbm>>
      tpu.wait_indirect_dma semaphore(%arg15 : memref<!tpu.dma_semaphore, #tpu.memory_space<semaphore_mem>>) src(%dma_wait3A_231 : memref<10000x128xf32, #tpu.memory_space<hbm>>) dst(%arg10 : memref<125x128xf32, #tpu.memory_space<vmem>>)
      %mul3A_232 = arith.constant 8 : i32
      %mul3A_233 = arith.muli %rem3A_66, %mul3A_232 : i32
      %add3A_234 = arith.constant 7 : i32
      %add3A_235 = arith.addi %mul3A_233, %add3A_234 : i32
      "tpu.region"() ({
        %run_scoped3A = tpu.sem_alloc : memref<!tpu.dma_semaphore, #tpu.memory_space<semaphore_mem>>
        %dma_start3A_243 = arith.constant 0 : i32
        %dma_start3A_244 = tpu.memref_slice %arg8[%add3A_235, %dma_start3A_243] : memref<16x125xi32, #tpu.memory_space<vmem>> -> memref<1x125xi32, #tpu.memory_space<vmem>>
        %dma_start3A_245 = tpu.memref_squeeze %dma_start3A_244 : memref<1x125xi32, #tpu.memory_space<vmem>> -> memref<125xi32, #tpu.memory_space<vmem>>
        %dma_start3A_246 = arith.constant 0 : i32
        %dma_start3A_247 = arith.constant 0 : i32
        %dma_start3A_248 = tpu.memref_slice %arg11[%dma_start3A_246, %dma_start3A_247] : memref<10000x128xf32, #tpu.memory_space<vmem_shared>> -> memref<10000x128xf32, #tpu.memory_space<vmem_shared>>
        tpu.enqueue_indirect_dma source(%arg10 : memref<125x128xf32, #tpu.memory_space<vmem>>) target(%dma_start3A_248 : memref<10000x128xf32, #tpu.memory_space<vmem_shared>>) offsets(%dma_start3A_245 : memref<125xi32, #tpu.memory_space<vmem>>) semaphore(%run_scoped3A : memref<!tpu.dma_semaphore, #tpu.memory_space<semaphore_mem>>) {add = true}
        %dma_wait3A_249 = arith.constant 0 : i32
        %dma_wait3A_250 = tpu.memref_slice %arg8[%add3A_235, %dma_wait3A_249] : memref<16x125xi32, #tpu.memory_space<vmem>> -> memref<1x125xi32, #tpu.memory_space<vmem>>
        %dma_wait3A_251 = tpu.memref_squeeze %dma_wait3A_250 : memref<1x125xi32, #tpu.memory_space<vmem>> -> memref<125xi32, #tpu.memory_space<vmem>>
        %dma_wait3A_252 = arith.constant 0 : i32
        %dma_wait3A_253 = arith.constant 0 : i32
        %dma_wait3A_254 = tpu.memref_slice %arg11[%dma_wait3A_252, %dma_wait3A_253] : memref<10000x128xf32, #tpu.memory_space<vmem_shared>> -> memref<10000x128xf32, #tpu.memory_space<vmem_shared>>
        tpu.wait_indirect_dma semaphore(%run_scoped3A : memref<!tpu.dma_semaphore, #tpu.memory_space<semaphore_mem>>) src(%arg10 : memref<125x128xf32, #tpu.memory_space<vmem>>) dst(%dma_wait3A_254 : memref<10000x128xf32, #tpu.memory_space<vmem_shared>>)
        tpu.yield
      }) : () -> ()
      %add3A_236 = arith.constant 2 : i32
      %add3A_237 = arith.addi %add3A_225, %add3A_236 : i32
      %lt3A_238 = arith.constant 80 : i32
      %lt3A_239 = arith.cmpi slt, %add3A_237, %lt3A_238 : i32
      %convert_element_type3A_240 = arith.extui %lt3A_239 : i1 to i32
      %cond3A_241 = arith.constant 0 : i32
      %cond3A_242 = arith.cmpi ne, %convert_element_type3A_240, %cond3A_241 : i32
      scf.if %cond3A_242 {
        %add3A_243 = arith.constant 2 : i32
        %add3A_244 = arith.addi %add3A_225, %add3A_243 : i32
        %dma_start3A_245 = arith.constant 0 : i32
        %dma_start3A_246 = tpu.memref_slice %arg7[%add3A_244, %dma_start3A_245] : memref<80x125xi32, #tpu.memory_space<vmem>> -> memref<1x125xi32, #tpu.memory_space<vmem>>
        %dma_start3A_247 = tpu.memref_squeeze %dma_start3A_246 : memref<1x125xi32, #tpu.memory_space<vmem>> -> memref<125xi32, #tpu.memory_space<vmem>>
        %dma_start3A_248 = arith.constant 0 : i32
        %dma_start3A_249 = arith.constant 0 : i32
        %dma_start3A_250 = tpu.memref_slice %arg2[%dma_start3A_248, %dma_start3A_249] : memref<10000x128xf32, #tpu.memory_space<hbm>> -> memref<10000x128xf32, #tpu.memory_space<hbm>>
        tpu.enqueue_indirect_dma source(%dma_start3A_250 : memref<10000x128xf32, #tpu.memory_space<hbm>>) target(%arg10 : memref<125x128xf32, #tpu.memory_space<vmem>>) offsets(%dma_start3A_247 : memref<125xi32, #tpu.memory_space<vmem>>) semaphore(%arg15 : memref<!tpu.dma_semaphore, #tpu.memory_space<semaphore_mem>>)
      } else {
      }
    }
    %scan3A_50 = arith.constant 10 : i32
    %barrier3A_51 = arith.constant 0 : index
    tpu.barrier barrier_id(%barrier3A_51)
    %mul3A_52 = arith.constant 624 : i32
    %mul3A_53 = arith.muli %arg1, %mul3A_52 : i32
    %mul3A_54 = arith.constant 624 : i32
    %mul3A_55 = arith.muli %arg1, %mul3A_54 : i32
    "tpu.region"() ({
      %run_scoped3A = tpu.sem_alloc : memref<!tpu.dma_semaphore, #tpu.memory_space<semaphore_mem>>
      %dma_start3A_61 = arith.constant 0 : i32
      %dma_start3A_62 = tpu.memref_slice %arg6[%arg0, %mul3A_55, %dma_start3A_61] : memref<2x10000x128xf32, #tpu.memory_space<hbm>> -> memref<1x624x128xf32, #tpu.memory_space<hbm>>
      %dma_start3A_63 = tpu.memref_squeeze %dma_start3A_62 : memref<1x624x128xf32, #tpu.memory_space<hbm>> -> memref<624x128xf32, #tpu.memory_space<hbm>>
      %dma_start3A_64 = arith.constant 0 : i32
      %dma_start3A_65 = tpu.memref_slice %arg11[%mul3A_53, %dma_start3A_64] : memref<10000x128xf32, #tpu.memory_space<vmem_shared>> -> memref<624x128xf32, #tpu.memory_space<vmem_shared>>
      tpu.enqueue_dma source(%dma_start3A_65 : memref<624x128xf32, #tpu.memory_space<vmem_shared>>) target(%dma_start3A_63 : memref<624x128xf32, #tpu.memory_space<hbm>>) target_semaphore(%run_scoped3A : memref<!tpu.dma_semaphore, #tpu.memory_space<semaphore_mem>>)
      %dma_wait3A_66 = arith.constant 0 : i32
      %dma_wait3A_67 = tpu.memref_slice %arg6[%arg0, %mul3A_55, %dma_wait3A_66] : memref<2x10000x128xf32, #tpu.memory_space<hbm>> -> memref<1x624x128xf32, #tpu.memory_space<hbm>>
      %dma_wait3A_68 = tpu.memref_squeeze %dma_wait3A_67 : memref<1x624x128xf32, #tpu.memory_space<hbm>> -> memref<624x128xf32, #tpu.memory_space<hbm>>
      %dma_wait3A_69 = arith.constant 0 : i32
      %dma_wait3A_70 = tpu.memref_slice %arg11[%mul3A_53, %dma_wait3A_69] : memref<10000x128xf32, #tpu.memory_space<vmem_shared>> -> memref<624x128xf32, #tpu.memory_space<vmem_shared>>
      tpu.wait_dma2 semaphore(%run_scoped3A : memref<!tpu.dma_semaphore, #tpu.memory_space<semaphore_mem>>) src(%dma_wait3A_70 : memref<624x128xf32, #tpu.memory_space<vmem_shared>>) dst(%dma_wait3A_68 : memref<624x128xf32, #tpu.memory_space<hbm>>)
      tpu.yield
    }) : () -> ()
    %eq3A_56 = arith.constant 0 : i32
    %eq3A_57 = arith.cmpi eq, %arg1, %eq3A_56 : i32
    %convert_element_type3A_58 = arith.extui %eq3A_57 : i1 to i32
    %cond3A_59 = arith.constant 0 : i32
    %cond3A_60 = arith.cmpi ne, %convert_element_type3A_58, %cond3A_59 : i32
    scf.if %cond3A_60 {
      "tpu.region"() ({
        %run_scoped3A = tpu.sem_alloc : memref<!tpu.dma_semaphore, #tpu.memory_space<semaphore_mem>>
        %dma_start3A_61 = arith.constant 9984 : i32
        %dma_start3A_62 = arith.constant 0 : i32
        %dma_start3A_63 = tpu.memref_slice %arg6[%arg0, %dma_start3A_61, %dma_start3A_62] : memref<2x10000x128xf32, #tpu.memory_space<hbm>> -> memref<1x16x128xf32, #tpu.memory_space<hbm>>
        %dma_start3A_64 = tpu.memref_squeeze %dma_start3A_63 : memref<1x16x128xf32, #tpu.memory_space<hbm>> -> memref<16x128xf32, #tpu.memory_space<hbm>>
        %dma_start3A_65 = arith.constant 9984 : i32
        %dma_start3A_66 = arith.constant 0 : i32
        %dma_start3A_67 = tpu.memref_slice %arg11[%dma_start3A_65, %dma_start3A_66] : memref<10000x128xf32, #tpu.memory_space<vmem_shared>> -> memref<16x128xf32, #tpu.memory_space<vmem_shared>>
        tpu.enqueue_dma source(%dma_start3A_67 : memref<16x128xf32, #tpu.memory_space<vmem_shared>>) target(%dma_start3A_64 : memref<16x128xf32, #tpu.memory_space<hbm>>) target_semaphore(%run_scoped3A : memref<!tpu.dma_semaphore, #tpu.memory_space<semaphore_mem>>)
        %dma_wait3A_68 = arith.constant 9984 : i32
        %dma_wait3A_69 = arith.constant 0 : i32
        %dma_wait3A_70 = tpu.memref_slice %arg6[%arg0, %dma_wait3A_68, %dma_wait3A_69] : memref<2x10000x128xf32, #tpu.memory_space<hbm>> -> memref<1x16x128xf32, #tpu.memory_space<hbm>>
        %dma_wait3A_71 = tpu.memref_squeeze %dma_wait3A_70 : memref<1x16x128xf32, #tpu.memory_space<hbm>> -> memref<16x128xf32, #tpu.memory_space<hbm>>
        %dma_wait3A_72 = arith.constant 9984 : i32
        %dma_wait3A_73 = arith.constant 0 : i32
        %dma_wait3A_74 = tpu.memref_slice %arg11[%dma_wait3A_72, %dma_wait3A_73] : memref<10000x128xf32, #tpu.memory_space<vmem_shared>> -> memref<16x128xf32, #tpu.memory_space<vmem_shared>>
        tpu.wait_dma2 semaphore(%run_scoped3A : memref<!tpu.dma_semaphore, #tpu.memory_space<semaphore_mem>>) src(%dma_wait3A_74 : memref<16x128xf32, #tpu.memory_space<vmem_shared>>) dst(%dma_wait3A_71 : memref<16x128xf32, #tpu.memory_space<hbm>>)
        tpu.yield
      }) : () -> ()
    } else {
    }
    return
  }
}

module attributes {stable_mosaic.version = 14 : i64} {
  func.func @_mlp_body(%arg0: memref<1xf32, #tpu.memory_space<smem>>, %arg1: memref<10000x128xf32, #tpu.memory_space<vmem>>, %arg2: memref<2x10000x128xf32, #tpu.memory_space<vmem>>, %arg3: memref<128x128xf32, #tpu.memory_space<vmem>>, %arg4: memref<1x128xf32, #tpu.memory_space<vmem>>, %arg5: memref<1x128xf32, #tpu.memory_space<vmem>>, %arg6: memref<1x128xf32, #tpu.memory_space<vmem>>, %arg7: memref<128x128xf32, #tpu.memory_space<vmem>>, %arg8: memref<1x128xf32, #tpu.memory_space<vmem>>, %arg9: memref<1x128xf32, #tpu.memory_space<vmem>>, %arg10: memref<1x128xf32, #tpu.memory_space<vmem>>, %arg11: memref<10000x128xf32, #tpu.memory_space<vmem>>) attributes {dimension_semantics = [], scalar_prefetch = 0 : i64, scratch_operands = 0 : i64, tpu.core_type = #tpu.core_type<tc>} {
    %get3A = arith.constant 0 : index
    %get3A_0 = arith.constant 0 : index
    %get3A_1 = vector.load %arg1[%get3A, %get3A_0] : memref<10000x128xf32, #tpu.memory_space<vmem>>, vector<10000x128xf32>
    %get3A_2 = arith.constant 0 : index
    %get3A_3 = memref.load %arg0[%get3A_2] : memref<1xf32, #tpu.memory_space<smem>>
    %add3A = arith.constant 1.000000e+00 : f32
    %add3A_4 = arith.addf %add3A, %get3A_3 : f32
    %mul3A = vector.broadcast %add3A_4 : f32 to vector<10000x128xf32>
    %mul3A_5 = arith.mulf %get3A_1, %mul3A : vector<10000x128xf32>
    %get3A_6 = arith.constant 0 : index
    %get3A_7 = arith.constant 0 : index
    %get3A_8 = arith.constant 0 : index
    %get3A_9 = vector.load %arg2[%get3A_6, %get3A_7, %get3A_8] : memref<2x10000x128xf32, #tpu.memory_space<vmem>>, vector<1x10000x128xf32>
    %get3A_10 = vector.shape_cast %get3A_9 : vector<1x10000x128xf32> to vector<10000x128xf32>
    %add3A_11 = arith.addf %mul3A_5, %get3A_10 : vector<10000x128xf32>
    %get3A_12 = arith.constant 1 : index
    %get3A_13 = arith.constant 0 : index
    %get3A_14 = arith.constant 0 : index
    %get3A_15 = vector.load %arg2[%get3A_12, %get3A_13, %get3A_14] : memref<2x10000x128xf32, #tpu.memory_space<vmem>>, vector<1x10000x128xf32>
    %get3A_16 = vector.shape_cast %get3A_15 : vector<1x10000x128xf32> to vector<10000x128xf32>
    %add3A_17 = arith.addf %add3A_11, %get3A_16 : vector<10000x128xf32>
    %get3A_18 = arith.constant 0 : index
    %get3A_19 = arith.constant 0 : index
    %get3A_20 = vector.load %arg3[%get3A_18, %get3A_19] : memref<128x128xf32, #tpu.memory_space<vmem>>, vector<128x128xf32>
    %dot_general3A = arith.constant dense<0.000000e+00> : vector<10000x128xf32>
    %dot_general3A_21 = tpu.matmul %add3A_17, %get3A_20, %dot_general3A {dimension_numbers = #tpu.dot_dimension_numbers<[1], [0], [0], [1], [0, 0, 1, 1], [], []>, transpose_lhs_hint = false} : vector<10000x128xf32>, vector<128x128xf32>, vector<10000x128xf32> -> vector<10000x128xf32>
    %get3A_22 = arith.constant 0 : index
    %get3A_23 = arith.constant 0 : index
    %get3A_24 = vector.load %arg4[%get3A_22, %get3A_23] : memref<1x128xf32, #tpu.memory_space<vmem>>, vector<1x128xf32>
    %add3A_25 = vector.broadcast %get3A_24 : vector<1x128xf32> to vector<10000x128xf32>
    %add3A_26 = arith.addf %dot_general3A_21, %add3A_25 : vector<10000x128xf32>
    %reduce_sum3A = arith.constant dense<0.000000e+00> : vector<128xf32>
    %reduce_sum3A_27 = vector.multi_reduction <add>, %add3A_26, %reduce_sum3A [0] : vector<10000x128xf32> to vector<128xf32>
    %broadcast_in_dim3A = vector.shape_cast %reduce_sum3A_27 : vector<128xf32> to vector<1x128xf32>
    %div3A = arith.constant 1.000000e+04 : f32
    %div3A_28 = vector.broadcast %div3A : f32 to vector<1x128xf32>
    %div3A_29 = arith.divf %broadcast_in_dim3A, %div3A_28 : vector<1x128xf32>
    %sub3A = vector.broadcast %div3A_29 : vector<1x128xf32> to vector<10000x128xf32>
    %sub3A_30 = arith.subf %add3A_26, %sub3A : vector<10000x128xf32>
    %mul3A_31 = arith.mulf %sub3A_30, %sub3A_30 : vector<10000x128xf32>
    %reduce_sum3A_32 = arith.constant dense<0.000000e+00> : vector<128xf32>
    %reduce_sum3A_33 = vector.multi_reduction <add>, %mul3A_31, %reduce_sum3A_32 [0] : vector<10000x128xf32> to vector<128xf32>
    %broadcast_in_dim3A_34 = vector.shape_cast %reduce_sum3A_33 : vector<128xf32> to vector<1x128xf32>
    %div3A_35 = arith.constant 1.000000e+04 : f32
    %div3A_36 = vector.broadcast %div3A_35 : f32 to vector<1x128xf32>
    %div3A_37 = arith.divf %broadcast_in_dim3A_34, %div3A_36 : vector<1x128xf32>
    %add3A_38 = arith.constant 9.99999974E-6 : f32
    %add3A_39 = vector.broadcast %add3A_38 : f32 to vector<1x128xf32>
    %add3A_40 = arith.addf %div3A_37, %add3A_39 : vector<1x128xf32>
    %rsqrt3A = math.rsqrt %add3A_40 : vector<1x128xf32>
    %mul3A_41 = vector.broadcast %rsqrt3A : vector<1x128xf32> to vector<10000x128xf32>
    %mul3A_42 = arith.mulf %sub3A_30, %mul3A_41 : vector<10000x128xf32>
    %get3A_43 = arith.constant 0 : index
    %get3A_44 = arith.constant 0 : index
    %get3A_45 = vector.load %arg5[%get3A_43, %get3A_44] : memref<1x128xf32, #tpu.memory_space<vmem>>, vector<1x128xf32>
    %mul3A_46 = vector.broadcast %get3A_45 : vector<1x128xf32> to vector<10000x128xf32>
    %mul3A_47 = arith.mulf %mul3A_42, %mul3A_46 : vector<10000x128xf32>
    %get3A_48 = arith.constant 0 : index
    %get3A_49 = arith.constant 0 : index
    %get3A_50 = vector.load %arg6[%get3A_48, %get3A_49] : memref<1x128xf32, #tpu.memory_space<vmem>>, vector<1x128xf32>
    %add3A_51 = vector.broadcast %get3A_50 : vector<1x128xf32> to vector<10000x128xf32>
    %add3A_52 = arith.addf %mul3A_47, %add3A_51 : vector<10000x128xf32>
    %max3A = arith.constant 0.000000e+00 : f32
    %max3A_53 = vector.broadcast %max3A : f32 to vector<10000x128xf32>
    %max3A_54 = arith.maximumf %add3A_52, %max3A_53 : vector<10000x128xf32>
    %get3A_55 = arith.constant 0 : index
    %get3A_56 = arith.constant 0 : index
    %get3A_57 = vector.load %arg7[%get3A_55, %get3A_56] : memref<128x128xf32, #tpu.memory_space<vmem>>, vector<128x128xf32>
    %dot_general3A_58 = arith.constant dense<0.000000e+00> : vector<10000x128xf32>
    %dot_general3A_59 = tpu.matmul %max3A_54, %get3A_57, %dot_general3A_58 {dimension_numbers = #tpu.dot_dimension_numbers<[1], [0], [0], [1], [0, 0, 1, 1], [], []>, transpose_lhs_hint = false} : vector<10000x128xf32>, vector<128x128xf32>, vector<10000x128xf32> -> vector<10000x128xf32>
    %get3A_60 = arith.constant 0 : index
    %get3A_61 = arith.constant 0 : index
    %get3A_62 = vector.load %arg8[%get3A_60, %get3A_61] : memref<1x128xf32, #tpu.memory_space<vmem>>, vector<1x128xf32>
    %add3A_63 = vector.broadcast %get3A_62 : vector<1x128xf32> to vector<10000x128xf32>
    %add3A_64 = arith.addf %dot_general3A_59, %add3A_63 : vector<10000x128xf32>
    %reduce_sum3A_65 = arith.constant dense<0.000000e+00> : vector<128xf32>
    %reduce_sum3A_66 = vector.multi_reduction <add>, %add3A_64, %reduce_sum3A_65 [0] : vector<10000x128xf32> to vector<128xf32>
    %broadcast_in_dim3A_67 = vector.shape_cast %reduce_sum3A_66 : vector<128xf32> to vector<1x128xf32>
    %div3A_68 = arith.constant 1.000000e+04 : f32
    %div3A_69 = vector.broadcast %div3A_68 : f32 to vector<1x128xf32>
    %div3A_70 = arith.divf %broadcast_in_dim3A_67, %div3A_69 : vector<1x128xf32>
    %sub3A_71 = vector.broadcast %div3A_70 : vector<1x128xf32> to vector<10000x128xf32>
    %sub3A_72 = arith.subf %add3A_64, %sub3A_71 : vector<10000x128xf32>
    %mul3A_73 = arith.mulf %sub3A_72, %sub3A_72 : vector<10000x128xf32>
    %reduce_sum3A_74 = arith.constant dense<0.000000e+00> : vector<128xf32>
    %reduce_sum3A_75 = vector.multi_reduction <add>, %mul3A_73, %reduce_sum3A_74 [0] : vector<10000x128xf32> to vector<128xf32>
    %broadcast_in_dim3A_76 = vector.shape_cast %reduce_sum3A_75 : vector<128xf32> to vector<1x128xf32>
    %div3A_77 = arith.constant 1.000000e+04 : f32
    %div3A_78 = vector.broadcast %div3A_77 : f32 to vector<1x128xf32>
    %div3A_79 = arith.divf %broadcast_in_dim3A_76, %div3A_78 : vector<1x128xf32>
    %add3A_80 = arith.constant 9.99999974E-6 : f32
    %add3A_81 = vector.broadcast %add3A_80 : f32 to vector<1x128xf32>
    %add3A_82 = arith.addf %div3A_79, %add3A_81 : vector<1x128xf32>
    %rsqrt3A_83 = math.rsqrt %add3A_82 : vector<1x128xf32>
    %mul3A_84 = vector.broadcast %rsqrt3A_83 : vector<1x128xf32> to vector<10000x128xf32>
    %mul3A_85 = arith.mulf %sub3A_72, %mul3A_84 : vector<10000x128xf32>
    %get3A_86 = arith.constant 0 : index
    %get3A_87 = arith.constant 0 : index
    %get3A_88 = vector.load %arg9[%get3A_86, %get3A_87] : memref<1x128xf32, #tpu.memory_space<vmem>>, vector<1x128xf32>
    %mul3A_89 = vector.broadcast %get3A_88 : vector<1x128xf32> to vector<10000x128xf32>
    %mul3A_90 = arith.mulf %mul3A_85, %mul3A_89 : vector<10000x128xf32>
    %get3A_91 = arith.constant 0 : index
    %get3A_92 = arith.constant 0 : index
    %get3A_93 = vector.load %arg10[%get3A_91, %get3A_92] : memref<1x128xf32, #tpu.memory_space<vmem>>, vector<1x128xf32>
    %add3A_94 = vector.broadcast %get3A_93 : vector<1x128xf32> to vector<10000x128xf32>
    %add3A_95 = arith.addf %mul3A_90, %add3A_94 : vector<10000x128xf32>
    %swap3A = arith.constant 0 : index
    %swap3A_96 = arith.constant 0 : index
    %swap3A_97 = vector.load %arg11[%swap3A, %swap3A_96] : memref<10000x128xf32, #tpu.memory_space<vmem>>, vector<10000x128xf32>
    tpu.vector_store %arg11[%swap3A, %swap3A_96], %add3A_95 {strides = array<i32>} : memref<10000x128xf32, #tpu.memory_space<vmem>>, vector<10000x128xf32>,
    return
  }
}

</mosaic_0001>

<sc_bundles>
// kernel: kernel.4.cloned.1.call-start
scs
__scs_entry_jumppad:
0x0: {  	(pc) =	sbr.rel $0x88, $3  }
0x1: {  	(tag) =	ssettag $0x0;
	lr =	simm.s32 $0x1  }
0x2: {  	[smem:$0x3F96] =	sst lr;
	_ =	strace $0xD0000000  }
0x3: {  	_ = 	snop  }
0x4: {  	_ = 	snop  }
0x5: {  	_ = 	snop  }
0x6: {  	_ = 	snop  }
0x7: {  	_ = 	snop  }
__scs_overlays_trampoline_lowered:
0x8: {  	[smem:$0x3FA5] =	sst s0  }
0x9: {  	[smem:$0x3FA6] =	sst s1  }
0xa: {  	[smem:$0x3FA7] =	sst s2  }
0xb: {  	[smem:$0x3FA8] =	sst s3  }
0xc: {  	[smem:$0x3FA9] =	sst s4  }
0xd: {  	[smem:$0x3FAA] =	sst s5  }
0xe: {  	[smem:$0x3FAB] =	sst s6  }
0xf: {  	[smem:$0x3FAC] =	sst s7  }
0x10: {  	[smem:$0x3FAD] =	sst s8  }
0x11: {  	[smem:$0x3FAE] =	sst s9;
	s0 =	simm.s32 @!p0 $0x0  }
0x12: {  	s1 =	sld [smem:$0x3F94];
	s0 =	simm.s32 @p0 $0x1  }
0x13: {  	[smem:$0x3FAF] =	sst s0;
	s0 =	simm.s32 @!p1 $0x0  }
0x14: {  	s2 =	sld [smem:$0x3F93];
	s0 =	simm.s32 @p1 $0x1  }
0x15: {  	[smem:$0x3FB0] =	sst s0;
	s0 =	simm.s32 @!p2 $0x0  }
0x16: {  	s3 =	sld [smem:$0x3FDB];
	s0 =	simm.s32 @p2 $0x1  }
0x17: {  	s4 =	simm.s32 $0x1BF5;
	[smem:$0x3FB2] =	sst s0  }
0x18: {  	s0 =	sld [smem:$0x3F95];
	_ =	swait.ge [sflag:s4], $0x0  }
0x19: {  	s7 =	sld [smem:$0x3F96]  }
0x1a: {  	s8 =	sadd.s32 $0xFFFFE003, lr  }
0x1b: {  	s9 =	sadd.s32 $0xFFFFFEF7, lr;
	s5 =	simm.s32 $0xFFFFFFFF;
	p2 =	slt.u32 s8, $0xFFFFF086  }
0x1c: {  	p1 =	slt.u32 s9, $0xF7A;
	s5 =	simm.s32 @!p2 $0x0  }
0x1d: {  	s5 =	simm.s32 @p1 $0x1;
	p0 =	seq.s32 s7, s2  }
0x1e: {  	s7 =	smul.u32 @!p0 $0xF7A, s2;
	p2 =	seq.s32 @!p0 s5, $0x0  }
0x1f: {  	s9 =	smul.u32 $0xF7A, s1;
	s8 =	simm.s32 @!p0 $0x1BF5;
	p2 =	por !p2, p0  }
0x20: {  	[sflag:s8] =	ssyncset.s32 @!p0 $0xFFFFF086;
	s6 =	sadd.s32 @!p0 s3, s7;
	s7 =	simm.s32 @!p0 $0x108  }
0x21: {  	s3 =	sadd.s32 s3, s9;
	s6 =	sadd.s32 @!p0 $0x88, s6;
	s7 =	simm.s32 @p2 $0x1082  }
0x22: {  	[simem:s7], [sflag:s8] =	dma.local @!p0 [hbm:s6], $0xF7A  }
0x23: {  	s9 =	sor.u32 $0xD0000000, s2;
	s6 =	simm.s32 $0x108;
	_ =	swait.ge @!p0 [sflag:s8], $0x0  }
0x24: {  	s3 =	sadd.s32 $0x88, s3;
	s6 =	simm.s32 @!p1 $0x1082;
	[sflag:s4] =	ssyncset.s32 $0xFFFFF086  }
0x25: {  	[simem:s6], [sflag:s4] =	dma.local [hbm:s3], $0xF7A  }
0x26: {  	[smem:$0x3F96] =	sst s1;
	(tag) =	ssettag s2;
	_ =	strace s9  }
0x27: {  	s1 =	sld [smem:$0x3FA6]  }
0x28: {  	s2 =	sld [smem:$0x3FA7]  }
0x29: {  	s4 =	sld [smem:$0x3FA9]  }
0x2a: {  	p0 =	seq.s32 s5, $0x0;
	s5 =	sld [smem:$0x3FAA]  }
0x2b: {  	s6 =	sld [smem:$0x3FAB]  }
0x2c: {  	s7 =	sld [smem:$0x3FAC]  }
0x2d: {  	s3 =	simm.s32 $0x108;
	s8 =	sld [smem:$0x3FAD]  }
0x2e: {  	s3 =	simm.s32 @!p0 $0x1082;
	s9 =	sld [smem:$0x3FAE]  }
0x2f: {  	lr =	sadd.s32 s0, s3;
	s0 =	sld [smem:$0x3FA5]  }
0x30: {  	s3 =	sld [smem:$0x3FA8]  }
0x31: {  	[smem:$0x3FB1] =	sst s10  }
0x32: {  	s10 =	sld [smem:$0x3FAF];
	_ =	sdelay $0x3  }
0x33: {  	p0 =	seq.s32 s10, $0x1;
	s10 =	sld [smem:$0x3FB1];
	_ =	sdelay $0x3  }
0x34: {  	[smem:$0x3FB1] =	sst s10  }
0x35: {  	s10 =	sld [smem:$0x3FB0];
	_ =	sdelay $0x3  }
0x36: {  	p1 =	seq.s32 s10, $0x1;
	s10 =	sld [smem:$0x3FB1];
	_ =	sdelay $0x3  }
0x37: {  	[smem:$0x3FB1] =	sst s10  }
0x38: {  	s10 =	sld [smem:$0x3FB2]  }
0x39: {  	_ = 	snop;
	(pc) =	sbr.ind lr, $3  }
0x3a: {  	_ = 	snop  }
0x3b: {  	_ = 	snop  }
0x3c: {  	p2 =	seq.s32 s10, $0x1;
	s10 =	sld [smem:$0x3FB1]  }
0x3d: {  	_ =	shalt  }
0x3e: {  	_ =	shalt  }
0x3f: {  	_ =	shalt  }
0x40: {  	_ =	shalt  }
0x41: {  	_ =	shalt  }
0x42: {  	_ =	shalt  }
0x43: {  	_ =	shalt  }
0x44: {  	_ =	shalt  }
0x45: {  	_ =	shalt  }
0x46: {  	_ =	shalt  }
0x47: {  	_ =	shalt  }
0x48: {  	_ =	shalt  }
0x49: {  	_ =	shalt  }
0x4a: {  	_ =	shalt  }
0x4b: {  	_ =	shalt  }
0x4c: {  	_ =	shalt  }
0x4d: {  	_ =	shalt  }
0x4e: {  	_ =	shalt  }
0x4f: {  	_ =	shalt  }
0x50: {  	_ =	shalt  }
0x51: {  	_ =	shalt  }
0x52: {  	_ =	shalt  }
0x53: {  	_ =	shalt  }
0x54: {  	_ =	shalt  }
0x55: {  	_ =	shalt  }
0x56: {  	_ =	shalt  }
0x57: {  	_ =	shalt  }
0x58: {  	_ =	shalt  }
0x59: {  	_ =	shalt  }
0x5a: {  	_ =	shalt  }
0x5b: {  	_ =	shalt  }
0x5c: {  	_ =	shalt  }
0x5d: {  	_ =	shalt  }
0x5e: {  	_ =	shalt  }
0x5f: {  	_ =	shalt  }
0x60: {  	_ =	shalt  }
0x61: {  	_ =	shalt  }
0x62: {  	_ =	shalt  }
0x63: {  	_ =	shalt  }
0x64: {  	_ =	shalt  }
0x65: {  	_ =	shalt  }
0x66: {  	_ =	shalt  }
0x67: {  	_ =	shalt  }
0x68: {  	_ =	shalt  }
0x69: {  	_ =	shalt  }
0x6a: {  	_ =	shalt  }
0x6b: {  	_ =	shalt  }
0x6c: {  	_ =	shalt  }
0x6d: {  	_ =	shalt  }
0x6e: {  	_ =	shalt  }
0x6f: {  	_ =	shalt  }
0x70: {  	_ =	shalt  }
0x71: {  	_ =	shalt  }
0x72: {  	_ =	shalt  }
0x73: {  	_ =	shalt  }
0x74: {  	_ =	shalt  }
0x75: {  	_ =	shalt  }
0x76: {  	_ =	shalt  }
0x77: {  	_ =	shalt  }
0x78: {  	_ =	shalt  }
0x79: {  	_ =	shalt  }
0x7a: {  	_ =	shalt  }
0x7b: {  	_ =	shalt  }
0x7c: {  	_ =	shalt  }
0x7d: {  	_ =	shalt  }
0x7e: {  	_ =	shalt  }
0x7f: {  	_ =	shalt  }
0x80: {  	_ =	shalt  }
0x81: {  	_ =	shalt  }
0x82: {  	_ =	shalt  }
0x83: {  	_ =	shalt  }
0x84: {  	_ =	shalt  }
0x85: {  	_ =	shalt  }
0x86: {  	_ =	shalt  }
0x87: {  	_ =	shalt  }
.Lfunc_end0:
.L_simem_size_0:
called_computation_lowered:
.L_overlay_start_0:
0x88: {  	s2 =	sld [smem:$0x3FD9]  }
0x89: {  	s3 =	sld [smem:$0x3FFE];
	_ =	sdelay $0x1  }
0x8a: {  	s1 =	srdreg.scid  }
0x8b: {  	s0 =	sand.u32 $0x1, s1  }
0x8c: {  	s17 =	sshll.u32 s0, $0xA;
	s2 =	sadd.s32 s3, s2  }
0x8d: {  	s2 =	sadd.s32 s2, s17  }
0x8e: {  	[smem:$0x3FBD] =	sst s2  }
0x8f: {  	_ = 	snop  }
0x90: {  	s2 =	sld [smem:$0x3FC9]  }
0x91: {  	s18 =	sld [smem:$0x3FD0];
	(tm) =	ssettm $0x1  }
0x92: {  	s4 =	sld [smem:$0x3FFB];
	_ =	sdelay $0x3  }
0x93: {  	_ =	strace s4  }
0x94: {  	s4 =	sld [smem:$0x3FFC];
	_ =	sdelay $0x3  }
0x95: {  	_ =	strace s4  }
0x96: {  	s4 =	sld [smem:$0x3FFD];
	_ =	sdelay $0x3  }
0x97: {  	_ =	strace s4  }
0x98: {  	_ =	strace $0x8FFFFFFF  }
0x99: {  	s19 =	sld [smem:$0x3FDB];
	_ =	sdelay $0x1  }
0x9a: {  	s5 =	simm.s32 $_scs_section_size  }
0x9b: {  	s6 =	simm.s32 $_size__tile_overlayer_lowered;
	s7 =	simm.s32 $_tile_overlayer_lowered  }
0x9c: {  	s22 =	simm.s32 $0x1BFF;
	s21 =	sshll.u32 s7, $0x1;
	s4 =	sadd.s32 s5, s19  }
0x9d: {  	s8 =	simm.s32 $0x0;
	s20 =	sshll.u32 s6, $0x1;
	s6 =	sadd.s32 s21, s4  }
0x9e: {  	[timem:s8], [sflag:s22] =	dma.local [hbm:s6], s20  }
0x9f: {  	_ =	swait.ge [sflag:s22], s20  }
0xa0: {  	s5 =	ssub.s32 $0x0, s20;
	[sflag:s22] =	ssyncset.done $0x0  }
0xa1: {  	[sflag:s22] =	ssyncadd.s32 s5;
	_ =	sdelay $0x1  }
0xa2: {  	s23 =	simm.s32 $0x1B8B  }
0xa3: {  	_ =	swait.ge [sflag:s23], $0x1  }
0xa4: {  	[sflag:s23] =	ssyncset.done $0x0  }
0xa5: {  	s25 =	simm.s32 $0x1B8E;
	s24 =	sld [smem:$0x3FFE];
	[sflag:s23] =	ssyncadd.s32 $0xFFFFFFFF  }
0xa6: {  	s26 =	simm.s32 $execute0_lowered;
	[smem:$0x3FD2] =	sst s25  }
0xa7: {  	s6 =	sshll.u32 s26, $0x1;
	_ =	strace $0x80000046;
	[dreg:$0x1] =	wrdreg $0xFFFFFFFF  }
0xa8: {  	s28 =	simm.s32 $_size_execute0_lowered;
	s4 =	sadd.s32 s4, s6;
	[dreg:$0x0] =	wrdreg $0x0  }
0xa9: {  	s6 =	sshll.u32 s28, $0x1;
	[dreg:$0x2] =	wrdreg s4  }
0xaa: {  	[dreg:$0x3] =	wrdreg s6  }
0xab: {  	[dreg:$0x4] =	wrdreg $0xC0  }
0xac: {  	_ =	task [dreg:s8], $0x5FFFF  }
0xad: {  	[dreg:$0x1] =	wrdreg $0xFFFFFFFF  }
0xae: {  	[dreg:$0x0] =	wrdreg $0x60  }
0xaf: {  	[dreg:$0x2] =	wrdreg s2  }
0xb0: {  	[dreg:$0x3] =	wrdreg s18  }
0xb1: {  	[dreg:$0x4] =	wrdreg s24  }
0xb2: {  	[dreg:$0x5] =	wrdreg $0xB0000  }
0xb3: {  	[dreg:$0x6] =	wrdreg $0x9  }
0xb4: {  	_ =	task.clear_ibuf [dreg:s8], $0x7FFFF;
	_ =	strace $0x90000046  }
0xb5: {  	s29 =	simm.s32 $0x9;
	_ =	strace $0x80000048  }
0xb6: {  	_ =	swait.ge [sflag:s29], $0x1  }
0xb7: {  	[sflag:s29] =	ssyncadd.s32 $0xFFFFFFFF  }
0xb8: {  	_ =	strace $0x90000048  }
0xb9: {  	_ =	sfence  }
0xba: {  	s30 =	sld [smem:$0x0];
	_ =	sdelay $0x2  }
0xbb: {  	s31 =	sshll.u32 s1, $0xD;
	s1 =	sshrl.u32 s1, $0x2  }
0xbc: {  	s3 =	sand.u32 $0x4000, s31;
	s1 =	sadd.s32 s1, s30  }
0xbd: {  	s0 =	sor.u32 s3, s0;
	s1 =	sshll.u32 s1, $0x11  }
0xbe: {  	s0 =	sor.u32 s1, s0  }
0xbf: {  	s0 =	sadd.s32 $0x8F2B, s0  }
0xc0: {  	[sflag:s0] =	ssyncadd.remote.s32 $0x1  }
0xc1: {  	_ =	sfence.sel $0xFFFF  }
0xc2: {  	[dreg:$0x0] =	wrdreg $0xFFFFFFFF;
	(pc) =	sbr.abs _section_cstart, $3  }
0xc3: {  	[dreg:$0x1] =	wrdreg $0xFFFFFFFF  }
0xc4: {  	_ =	task.clear_ibuf [dreg:s8], $0x2FFFF;
	_ =	strace $0x9FFFFFFF  }
0xc5: {  	(tm) =	ssettm $0x7FFFFFFF  }
tec
execute0_lowered:
.L_overlay_start_1:
0x0: {  	(tag) =	ssettag $0x1  }
0x1: {  	s1 =	rddreg [dreg:$0x0]  }
0x2: {  	s5 =	rddreg [dreg:$0x1]  }
0x3: {  	s6 =	rddreg [dreg:$0x2]  }
0x4: {  	s2 =	rddreg [dreg:$0x3];
	s3 =	srdreg.scid  }
0x5: {  	s14 =	stileid.u32;
	s19 =	simm.s32 $0x7D;
	s20 =	simm.s32 $0x3000  }
0x6: {  	s21 =	simm.s32 $0x80;
	s22 =	simm.s32 $0x7000;
	s23 =	simm.s32 $0x3  }
0x7: {  	s7 =	sand.u32 $0x1, s3;
	s3 =	simm.s32 $0x0;
	s9 =	smul.u32 $0x4E000, s14  }
0x8: {  	s11 =	sadd.s32 $0x1600, s6;
	s10 =	sadd.s32 $0xDE00, s6;
	s15 =	smul.u32 $0x13800, s14  }
0x9: {  	s26 =	smul.u32 $0x2800, s14;
	s18 =	sadd.s32 $0x138000, s2;
	p0 =	sne.s32 s14, $0x0  }
0xa: {  	s31 =	sshll.u32 s14, $0x6;
	s4 =	sshll.u32 s7, $0x4;
	s12 =	smul.u32 $0x138800, s7  }
0xb: {  	[smem:$0x7FF] =	sst s3;
	s24 =	ssub.s32 $0x2, s7;
	s16 =	smul.u32 $0x28000, s7  }
0xc: {  	s4 =	sor.u32 s14, s4;
	_ =	strace $0x80000047;
	s13 =	sshrl.u32 s24, $0x1  }
0xd: {  	s25 =	sshrl.u32 s9, $0x2;
	s14 =	simm.s32 $0x2C00;
	s8 =	smul.u32 $0x2800, s4  }
0xe: {  	s4 =	sadd.s32 $0xB600, s6;
	s13 =	ssub.s32 s24, s13;
	s17 =	sadd.s32 s25, s2  }
0xf: {  	s28 =	sadd.s32 s15, s12;
	s12 =	sshrl.u32 s12, $0x3;
	s9 =	sadd.s32 s26, s16  }
0x10: {  	s15 =	sor.u32 $0x1C05, s31;
	s24 =	simm.s32 $0x4;
	s25 =	simm.s32 $0x0  }
0x11: {  	s12 =	sadd.s32 s10, s12;
	s29 =	sor.u32 $0x400, s9;
	s16 =	sshrl.u32 s17, $0x3  }
.Ltmp0:
0x12: {  	s17 =	sshrl.u32 @!p0 s18, $0x3;
	s18 =	simm.s32 $0x1;
	(pc) =	sbr.rel .LBB2_1-.Ltmp0, $4  }
0x13: {  	s8 =	sshrl.u32 s8, $0x3;
	s9 =	sadd.s32 $0x27000, s12;
	s30 =	sshrl.u32 s29, $0x3  }
0x14: {  	s12 =	simm.s32 $0x2800;
	s5 =	sadd.s32 s5, s8;
	s6 =	sadd.s32 s11, s8  }
0x15: {  	s8 =	sshrl.u32 s28, $0x3;
	s11 =	sadd.s32 s30, s11;
	s7 =	sadd.s32 $0x80, s6  }
0x16: {  	s8 =	sadd.s32 s10, s8;
	s10 =	smax.u32 s13, $0x1;
	s13 =	simm.s32 $0x5  }
.LBB2_4:
0x17: {  	_ =	swait.ge [sflag:s24], $0x3E80  }
0x18: {  	[sflag:s24] =	ssyncset.done $0x0  }
0x19: {  	[sflag:s24] =	ssyncadd.s32 $0xFFFFC180  }
0x1a: {  	[spmem:s2] =	stream.indirect.scatter.add.f32 [tilespmem:s22], [sflag:$0x5], $0x80, s31, s19, $0xb8;
	[tilespmem:$0x1E880] =	vst v63  }
0x1b: {  	_ =	swait.ge [sflag:s13], $0x3E80  }
0x1c: {  	[sflag:s13] =	ssyncset.done $0x0  }
0x1d: {  	[sflag:s13] =	ssyncadd.s32 $0xFFFFC180  }
0x1e: {  	[bflag:$0x0] =	sbarrier.arrive $0xFFFF  }
0x1f: {  	[hbm:s8], [sflag:s15] =	dma.local [spmem:s16], $0x2700  }
0x20: {  	s25 =	sadd.s32 $0x1, s25;
	_ =	swait.ge [sflag:s13], $0x2700  }
0x21: {  	p1 =	sne.s32 s25, s10;
	[sflag:s13] =	ssyncset.done $0x0  }
.Ltmp1:
0x22: {  	s0 =	simm.s32 @!p0 $0x5;
	[sflag:s13] =	ssyncadd.s32 $0xFFFFD900;
	(pc) =	sbr.rel @!p1 .LBB2_5-.Ltmp1, $4  }
0x23: {  	[hbm:s9], [sflag:s15] =	dma.local @!p0 [spmem:s17], $0x100  }
0x24: {  	_ =	swait.ge @!p0 [sflag:s0], $0x100  }
0x25: {  	[sflag:s0] =	ssyncset.done @!p0 $0x0  }
0x26: {  	[sflag:s0] =	ssyncadd.s32 @!p0 $0xFFFFFF00  }
.LBB2_1:
0x27: {  	[tilespmem:s3], [sflag:$0x1] =	stream.linear.gather [hbm4b:s5+s3], $0x2800, $0x38;
	[tilespmem:$0x1E880] =	vst v63  }
0x28: {  	_ = 	snop  }
0x29: {  	[tilespmem:s12], [sflag:$0x5] =	stream.linear.gather [hbm4b:s6+s3], $0x400, $0x38;
	[tilespmem:$0x1E880] =	vst v63  }
0x2a: {  	_ =	swait.ge [sflag:s13], $0x400  }
0x2b: {  	[sflag:s13] =	ssyncset.done $0x0  }
0x2c: {  	[sflag:s13] =	ssyncadd.s32 $0xFFFFFC00  }
0x2d: {  	[tilespmem:s14], [sflag:$0x2] =	stream.linear.gather [hbm4b:s7+s3], $0x400, $0x38;
	[tilespmem:$0x1E880] =	vst v63  }
0x2e: {  	[spmem:s16], [sflag:s15] =	dma.local [hbm:s4], $0x2700  }
0x2f: {  	_ =	swait.ge [sflag:s13], $0x2700  }
0x30: {  	[sflag:s13] =	ssyncset.done $0x0  }
0x31: {  	s26 =	simm.s32 @!p0 $0x5;
	[sflag:s13] =	ssyncadd.s32 $0xFFFFD900  }
0x32: {  	[spmem:s17], [sflag:s15] =	dma.local @!p0 [hbm:s4], $0x100  }
0x33: {  	_ =	swait.ge @!p0 [sflag:s26], $0x100  }
0x34: {  	[sflag:s26] =	ssyncset.done @!p0 $0x0  }
0x35: {  	[sflag:s26] =	ssyncadd.s32 @!p0 $0xFFFFFF00  }
0x36: {  	_ =	swait.ge [sflag:s18], $0x2800  }
0x37: {  	[sflag:s18] =	ssyncset.done $0x0  }
0x38: {  	[sflag:s18] =	ssyncadd.s32 $0xFFFFD800  }
0x39: {  	[bflag:$0x0] =	sbarrier.arrive $0xFFFF  }
0x3a: {  	[tilespmem:s20], [sflag:$0x3] =	stream.indirect.gather [hbm4b:s1+s19], $0x80, s3, s19, $0xb8;
	[tilespmem:$0x1E880] =	vst v63  }
0x3b: {  	s28 =	simm.s32 $0x0;
	s29 =	simm.s32 $0x0;
	s26 =	smov.u32 s11  }
0x3c: {  	[tilespmem:s22], [sflag:$0x4] =	stream.indirect.gather [hbm4b:s1+s19], $0x80, s21, s19, $0xb8;
	[tilespmem:$0x1E880] =	vst v63  }
.LBB2_2:
0x3d: {  	p1 =	seq.s32 s28, $0x0  }
0x3e: {  	s31 =	simm.s32 @!p1 $0x2  }
0x3f: {  	p2 =	seq.s32 @!p1 s28, $0x9000;
	_ =	swait.ge @!p1 [sflag:s31], $0x400  }
0x40: {  	s30 =	sand.u32 $0x1, s29;
	p2 =	por p1, !p2;
	[sflag:s31] =	ssyncset.done @!p1 $0x0  }
0x41: {  	[sflag:s31] =	ssyncadd.s32 @!p1 $0xFFFFFC00;
	s31 =	sshll.u32 @p2 s30, $0xA  }
0x42: {  	s31 =	sxor.u32 @p2 $0x2C00, s31  }
0x43: {  	[tilespmem:s31], [sflag:$0x2] =	stream.linear.gather @p2 [hbm4b:s26+s3], $0x400, $0x38;
	[tilespmem:$0x1E880] =	vst v63  }
0x44: {  	_ =	swait.ge [sflag:s23], $0x3E80  }
0x45: {  	s31 =	sshll.u32 s30, $0xA;
	[sflag:s23] =	ssyncset.done $0x0  }
0x46: {  	s30 =	sor.u32 $0x2800, s31;
	[sflag:s23] =	ssyncadd.s32 $0xFFFFC180  }
0x47: {  	[spmem:s2] =	stream.indirect.scatter.add.f32 [tilespmem:s20], [sflag:$0x5], $0x80, s30, s19, $0xb8;
	[tilespmem:$0x1E880] =	vst v63  }
0x48: {  	_ =	swait.ge [sflag:s13], $0x3E80  }
0x49: {  	s30 =	sshra.s32 s28, $0x2;
	[sflag:s13] =	ssyncset.done $0x0  }
0x4a: {  	s0 =	sadd.s32 $0x100, s30;
	[sflag:s13] =	ssyncadd.s32 $0xFFFFC180  }
0x4b: {  	[tilespmem:s20], [sflag:$0x3] =	stream.indirect.gather [hbm4b:s1+s19], $0x80, s0, s19, $0xb8;
	[tilespmem:$0x1E880] =	vst v63  }
0x4c: {  	_ =	swait.ge [sflag:s24], $0x3E80  }
0x4d: {  	[sflag:s24] =	ssyncset.done $0x0  }
0x4e: {  	s0 =	sor.u32 $0x2880, s31;
	[sflag:s24] =	ssyncadd.s32 $0xFFFFC180  }
0x4f: {  	[spmem:s2] =	stream.indirect.scatter.add.f32 [tilespmem:s22], [sflag:$0x5], $0x80, s0, s19, $0xb8;
	[tilespmem:$0x1E880] =	vst v63  }
0x50: {  	_ =	swait.ge [sflag:s13], $0x3E80  }
0x51: {  	[sflag:s13] =	ssyncset.done $0x0  }
0x52: {  	s0 =	sadd.s32 $0x180, s30;
	[sflag:s13] =	ssyncadd.s32 $0xFFFFC180  }
0x53: {  	[tilespmem:s22], [sflag:$0x4] =	stream.indirect.gather [hbm4b:s1+s19], $0x80, s0, s19, $0xb8;
	[tilespmem:$0x1E880] =	vst v63  }
0x54: {  	_ =	swait.ge [sflag:s23], $0x3E80  }
0x55: {  	[sflag:s23] =	ssyncset.done $0x0  }
0x56: {  	s0 =	sor.u32 $0x2900, s31;
	[sflag:s23] =	ssyncadd.s32 $0xFFFFC180  }
0x57: {  	[spmem:s2] =	stream.indirect.scatter.add.f32 [tilespmem:s20], [sflag:$0x5], $0x80, s0, s19, $0xb8;
	[tilespmem:$0x1E880] =	vst v63  }
0x58: {  	_ =	swait.ge [sflag:s13], $0x3E80  }
0x59: {  	[sflag:s13] =	ssyncset.done $0x0  }
0x5a: {  	s0 =	sadd.s32 $0x200, s30;
	[sflag:s13] =	ssyncadd.s32 $0xFFFFC180  }
0x5b: {  	[tilespmem:s20], [sflag:$0x3] =	stream.indirect.gather [hbm4b:s1+s19], $0x80, s0, s19, $0xb8;
	[tilespmem:$0x1E880] =	vst v63  }
0x5c: {  	_ =	swait.ge [sflag:s24], $0x3E80  }
0x5d: {  	[sflag:s24] =	ssyncset.done $0x0  }
0x5e: {  	s0 =	sor.u32 $0x2980, s31;
	[sflag:s24] =	ssyncadd.s32 $0xFFFFC180  }
0x5f: {  	[spmem:s2] =	stream.indirect.scatter.add.f32 [tilespmem:s22], [sflag:$0x5], $0x80, s0, s19, $0xb8;
	[tilespmem:$0x1E880] =	vst v63  }
0x60: {  	_ =	swait.ge [sflag:s13], $0x3E80  }
0x61: {  	[sflag:s13] =	ssyncset.done $0x0  }
0x62: {  	s0 =	sadd.s32 $0x280, s30;
	[sflag:s13] =	ssyncadd.s32 $0xFFFFC180  }
0x63: {  	[tilespmem:s22], [sflag:$0x4] =	stream.indirect.gather [hbm4b:s1+s19], $0x80, s0, s19, $0xb8;
	[tilespmem:$0x1E880] =	vst v63  }
0x64: {  	_ =	swait.ge [sflag:s23], $0x3E80  }
0x65: {  	[sflag:s23] =	ssyncset.done $0x0  }
0x66: {  	s0 =	sor.u32 $0x2A00, s31;
	[sflag:s23] =	ssyncadd.s32 $0xFFFFC180  }
0x67: {  	[spmem:s2] =	stream.indirect.scatter.add.f32 [tilespmem:s20], [sflag:$0x5], $0x80, s0, s19, $0xb8;
	[tilespmem:$0x1E880] =	vst v63  }
0x68: {  	_ =	swait.ge [sflag:s13], $0x3E80  }
0x69: {  	[sflag:s13] =	ssyncset.done $0x0  }
0x6a: {  	s0 =	sadd.s32 $0x300, s30;
	[sflag:s13] =	ssyncadd.s32 $0xFFFFC180  }
0x6b: {  	[tilespmem:s20], [sflag:$0x3] =	stream.indirect.gather [hbm4b:s1+s19], $0x80, s0, s19, $0xb8;
	[tilespmem:$0x1E880] =	vst v63  }
0x6c: {  	_ =	swait.ge [sflag:s24], $0x3E80  }
0x6d: {  	[sflag:s24] =	ssyncset.done $0x0  }
0x6e: {  	s0 =	sor.u32 $0x2A80, s31;
	[sflag:s24] =	ssyncadd.s32 $0xFFFFC180  }
0x6f: {  	[spmem:s2] =	stream.indirect.scatter.add.f32 [tilespmem:s22], [sflag:$0x5], $0x80, s0, s19, $0xb8;
	[tilespmem:$0x1E880] =	vst v63  }
0x70: {  	_ =	swait.ge [sflag:s13], $0x3E80  }
0x71: {  	[sflag:s13] =	ssyncset.done $0x0  }
0x72: {  	s0 =	sadd.s32 $0x380, s30;
	[sflag:s13] =	ssyncadd.s32 $0xFFFFC180  }
0x73: {  	[tilespmem:s22], [sflag:$0x4] =	stream.indirect.gather [hbm4b:s1+s19], $0x80, s0, s19, $0xb8;
	[tilespmem:$0x1E880] =	vst v63  }
0x74: {  	_ =	swait.ge [sflag:s23], $0x3E80  }
0x75: {  	p1 =	seq.s32 s28, $0x9000;
	[sflag:s23] =	ssyncset.done $0x0  }
.Ltmp2:
0x76: {  	s0 =	sor.u32 $0x2B00, s31;
	[sflag:s23] =	ssyncadd.s32 $0xFFFFC180;
	(pc) =	sbr.rel @p1 .LBB2_4-.Ltmp2, $4  }
0x77: {  	[spmem:s2] =	stream.indirect.scatter.add.f32 [tilespmem:s20], [sflag:$0x5], $0x80, s0, s19, $0xb8;
	[tilespmem:$0x1E880] =	vst v63  }
0x78: {  	_ =	swait.ge [sflag:s13], $0x3E80  }
0x79: {  	[sflag:s13] =	ssyncset.done $0x0  }
0x7a: {  	s31 =	sadd.s32 $0x2B80, s31;
	[sflag:s13] =	ssyncadd.s32 $0xFFFFC180  }
0x7b: {  	s0 =	sadd.s32 $0x400, s30  }
0x7c: {  	[tilespmem:s20], [sflag:$0x3] =	stream.indirect.gather [hbm4b:s1+s19], $0x80, s0, s19, $0xb8;
	[tilespmem:$0x1E880] =	vst v63  }
0x7d: {  	_ =	swait.ge [sflag:s24], $0x3E80  }
0x7e: {  	[sflag:s24] =	ssyncset.done $0x0  }
0x7f: {  	[sflag:s24] =	ssyncadd.s32 $0xFFFFC180  }
0x80: {  	[spmem:s2] =	stream.indirect.scatter.add.f32 [tilespmem:s22], [sflag:$0x5], $0x80, s31, s19, $0xb8;
	[tilespmem:$0x1E880] =	vst v63  }
.Ltmp3:
0x81: {  	_ = 	snop;
	(pc) =	sbr.rel .LBB2_2-.Ltmp3, $4  }
0x82: {  	_ =	swait.ge [sflag:s13], $0x3E80  }
0x83: {  	s29 =	sadd.s32 $0x1, s29;
	s28 =	sadd.s32 $0x1000, s28;
	[sflag:s13] =	ssyncset.done $0x0  }
0x84: {  	s26 =	sadd.s32 $0x80, s26;
	s31 =	sadd.s32 $0x480, s30;
	[sflag:s13] =	ssyncadd.s32 $0xFFFFC180  }
0x85: {  	[tilespmem:s22], [sflag:$0x4] =	stream.indirect.gather [hbm4b:s1+s19], $0x80, s31, s19, $0xb8;
	[tilespmem:$0x1E880] =	vst v63  }
.LBB2_5:
0x86: {  	_ =	sfence.sel $0x180000  }
0x87: {  	[bflag:$0x0] =	sbarrier.arrive $0xFFFF  }
0x88: {  	_ =	strace $0x90000047  }
0x89: {  	[bflag:$0x2] =	sbarrier.arrive $0xFFFF  }
0x8a: {  	s0 =	rddreg [dreg:$0x4]  }
0x8b: {  	s0 =	sadd.s32 @!p0 $0x100000, s0  }
0x8c: {  	[sflag:s0] =	ssyncadd.tile.s32 @!p0 $0x1;
	_ =	shalt  }
.Lfunc_end2:
_tile_overlayer_lowered:
.L_overlay_start_2:
0x8d: {  	(tag) =	ssettag $0x2  }
0x8e: {  	s0 =	rddreg [dreg:$0x0];
	s2 =	stileid.u32  }
0x8f: {  	s1 =	rddreg [dreg:$0x1];
	p0 =	sne.s32 s2, $0x0  }
0x90: {  	s3 =	rddreg [dreg:$0x2];
	[bflag:$0x3] =	sbarrier.arrive $0xFFFF;
	s2 =	simm.s32 @!p0 $0x1C05  }
0x91: {  	[timem:s3], [sflag:s2] =	dma.local @!p0 [hbm:s0], s1  }
0x92: {  	s0 =	simm.s32 @!p0 $0x5  }
0x93: {  	_ =	swait.ge @!p0 [sflag:s0], s1  }
0x94: {  	s1 =	ssub.s32 @!p0 $0x0, s1;
	[sflag:s0] =	ssyncset.done @!p0 $0x0  }
0x95: {  	[sflag:s0] =	ssyncadd.s32 @!p0 s1  }
0x96: {  	[bflag:$0x3] =	sbarrier.arrive $0xFFFF  }
0x97: {  	_ =	shalt  }

</sc_bundles>
